<compile_context>
chip_gen: v7x
topology: tpu7x:2x2x1
jax: 0.10.2.dev20260603
libtpu: 0.0.44.dev20260713+nightly
codegen_flags: <defaults>
</compile_context>

<pallas_src>
import functools
import math

import jax
import jax.numpy as jnp
from jax import lax
from jax.experimental import pallas as pl
from jax.experimental.pallas import tpu as pltpu
from jax.experimental.pallas import tpu_sc as plsc

_TEMP = 0.05
_N = 100000
_D = 64
_B = 1024
_BLK = 4096
_GRID = (_N + _BLK - 1) // _BLK
_LN2 = math.log(2.0)
_SHIFT = 115.0

_NC = 2
_NS = 16
_L = 16
_NW = _NC * _NS
_DPW = _D // _NW


def _lse_body(xa_ref, f_ref, out_ref, s_ref, fa_ref):
    j = pl.program_id(0)
    xa = xa_ref[...]

    @pl.when(j == 0)
    def _init():
        s_ref[...] = jnp.zeros_like(s_ref[...])
        one_row = lax.broadcasted_iota(jnp.int32, (8, _BLK), 0) == 0
        fa_ref[_D:_D + 8, :] = jnp.where(one_row, 1.0, 0.0).astype(jnp.bfloat16)

    fa_ref[0:_D, :] = f_ref[...].astype(jnp.bfloat16)
    lsh = lax.dot_general(
        xa.astype(jnp.bfloat16), fa_ref[...],
        (((1,), (0,)), ((), ())),
        preferred_element_type=jnp.float32)

    @pl.when(j < _GRID - 1)
    def _mid():
        s_ref[...] += jnp.sum(jnp.exp2(lsh), axis=1, keepdims=True)

    @pl.when(j == _GRID - 1)
    def _last():
        col = j * _BLK + lax.broadcasted_iota(jnp.int32, (1, _BLK), 1)
        masked = jnp.where(col < _N, lsh, -1e30)
        s = s_ref[...] + jnp.sum(jnp.exp2(masked), axis=1, keepdims=True)
        m2 = -xa[:, _D:_D + 1]
        logz = m2 * _LN2 + jnp.log(s)
        out_ref[0, 0] = jnp.sum(logz) * (1.0 / _B)


_lse = pl.pallas_call(
    _lse_body,
    grid=(_GRID,),
    in_specs=[
        pl.BlockSpec((_B, _D + 8), lambda j: (0, 0)),
        pl.BlockSpec((_D, _BLK), lambda j: (0, j)),
    ],
    out_specs=pl.BlockSpec((1, 1), lambda j: (0, 0), memory_space=pltpu.SMEM),
    out_shape=jax.ShapeDtypeStruct((1, 1), jnp.float32),
    scratch_shapes=[
        pltpu.VMEM((_B, 1), jnp.float32),
        pltpu.VMEM((_D + 8, _BLK), jnp.bfloat16),
    ],
)


def _tgt_body(xt_hbm, t_hbm, ft_hbm, out_hbm, t_v, row_v, xrow_v, acc_v, sem):
    wid = lax.axis_index("s") * _NC + lax.axis_index("c")
    pltpu.sync_copy(t_hbm, t_v)
    acc = jnp.zeros((_L,), jnp.float32)
    for k in range(_DPW):
        c = wid * _DPW + k
        cp = pltpu.async_copy(ft_hbm.at[c], row_v, sem)
        pltpu.sync_copy(xt_hbm.at[c], xrow_v)
        cp.wait()
        for g in range(_B // _L):
            tg = t_v[pl.ds(g * _L, _L)]
            fv = plsc.load_gather(row_v, [tg])
            acc = acc + fv * xrow_v[pl.ds(g * _L, _L)]
    acc_v[...] = acc
    pltpu.sync_copy(acc_v, out_hbm.at[wid])


@functools.cache
def _tgt():
    return pl.kernel(
        _tgt_body,
        mesh=plsc.VectorSubcoreMesh(core_axis_name="c", subcore_axis_name="s"),
        out_type=jax.ShapeDtypeStruct((_NW, _L), jnp.float32),
        scratch_types=[
            pltpu.VMEM((_B,), jnp.int32),
            pltpu.VMEM((_N,), jnp.float32),
            pltpu.VMEM((_B,), jnp.float32),
            pltpu.VMEM((_L,), jnp.float32),
            pltpu.SemaphoreType.DMA,
        ],
        compiler_params=pltpu.CompilerParams(needs_layout_passes=False),
    )


def kernel(inputs, targets, features):
    x2 = inputs * (1.0 / (_TEMP * _LN2))
    ft = features.T
    nrm = jnp.sqrt(jnp.sum(x2 * x2, axis=1, keepdims=True))
    m2 = (nrm - _SHIFT).astype(jnp.bfloat16).astype(jnp.float32)
    xa = jnp.concatenate(
        [x2, -m2, jnp.zeros((_B, 7), jnp.float32)], axis=1)
    mean_logz = _lse(xa, ft)[0, 0]
    partials = _tgt()(x2.T, targets, ft)
    return mean_logz - jnp.sum(partials) * (_LN2 / _B)

# --- scband reference (transcript-rebuilt; emitter-appended) ---
"""Pipeline reference for scband-cluster-memory-47304769798948 (READ-ONLY COPY).

The authoritative reference and input builder live on the scoring server;
editing this copy changes nothing except your own understanding.
"""

import jax, jax.numpy as jnp
import numpy as np

NUM_SAMPLES = 100000
NUM_FEATURES = 64
BATCH = 1024
TEMP = 0.05
MOMENTUM = 0.2


def setup_inputs(seed: int = 0) -> dict:
    key = jax.random.key(seed)
    k1, k2, k3 = jax.random.split(key, 3)
    inputs = jax.random.normal(k1, (BATCH, NUM_FEATURES), dtype=jnp.float32)
    targets = jax.random.randint(k2, (BATCH,), 0, NUM_SAMPLES, dtype=jnp.int32)
    # memory bank buffer (registered buffer 'features' in the torch module);
    # initialized to unit-norm random rows so the CE loss is nondegenerate
    features = jax.random.normal(k3, (NUM_SAMPLES, NUM_FEATURES), dtype=jnp.float32)
    features = features / (jnp.linalg.norm(features, axis=1, keepdims=True) + 1e-12)
    return {"inputs": inputs, "targets": targets, "features": features}


def reference(inputs, targets, features):
    # CM.forward: outputs = inputs.mm(features.t())
    outputs = inputs @ features.T
    # ClusterMemory.forward: outputs /= self.temp
    outputs = outputs / TEMP
    # nn.CrossEntropyLoss (mean reduction) over logits vs integer targets
    logz = jax.nn.logsumexp(outputs, axis=1)
    tgt_logit = jnp.take_along_axis(outputs, targets[:, None], axis=1)[:, 0]
    loss = jnp.mean(logz - tgt_logit)
    return loss

if __name__ == "__main__":
    import jax
    _d = setup_inputs()
    print(jax.jit(kernel)(*tuple(_d.values())))

</pallas_src>

<mosaic_0001>
#map = affine_map<(d0, d1) -> (0, 0)>
#map1 = affine_map<(d0, d1) -> (0)>
module attributes {stable_mosaic.version = 14 : i64} {
  func.func @_tgt_body(%arg0: i32, %arg1: i32, %arg2: memref<64x1024xf32, #tpu.memory_space<hbm>>, %arg3: memref<1024xi32, #tpu.memory_space<hbm>>, %arg4: memref<64x100000xf32, #tpu.memory_space<hbm>>, %arg5: memref<32x16xf32, #tpu.memory_space<hbm>>, %arg6: memref<1024xi32, #tpu.memory_space<vmem>>, %arg7: memref<100000xf32, #tpu.memory_space<vmem>>, %arg8: memref<1024xf32, #tpu.memory_space<vmem>>, %arg9: memref<16xf32, #tpu.memory_space<vmem>>, %arg10: memref<!tpu.dma_semaphore, #tpu.memory_space<semaphore_mem>>) attributes {dimension_semantics = [#tpu.dimension_semantics<core_parallel>, #tpu.dimension_semantics<subcore_parallel>], iteration_bounds = array<i64: 2, 16>, scalar_prefetch = 0 : i64, scratch_operands = 5 : i64, tpu.core_type = #tpu.core_type<sc_vector_subcore>, window_params = [{transform_indices = #map}, {transform_indices = #map1}, {transform_indices = #map}, {transform_indices = #map}]} {
    %mul3A = arith.constant 2 : i32
    %mul3A_0 = arith.muli %arg1, %mul3A : i32
    %add3A = arith.addi %mul3A_0, %arg0 : i32
    "tpu.region"() ({
      %run_scoped3A = tpu.sem_alloc : memref<!tpu.dma_semaphore, #tpu.memory_space<semaphore_mem>>
      tpu.enqueue_dma source(%arg3 : memref<1024xi32, #tpu.memory_space<hbm>>) target(%arg6 : memref<1024xi32, #tpu.memory_space<vmem>>) target_semaphore(%run_scoped3A : memref<!tpu.dma_semaphore, #tpu.memory_space<semaphore_mem>>)
      tpu.wait_dma2 semaphore(%run_scoped3A : memref<!tpu.dma_semaphore, #tpu.memory_space<semaphore_mem>>) src(%arg3 : memref<1024xi32, #tpu.memory_space<hbm>>) dst(%arg6 : memref<1024xi32, #tpu.memory_space<vmem>>)
      tpu.yield
    }) : () -> ()
    %broadcast_in_dim3A = arith.constant 0.000000e+00 : f32
    %broadcast_in_dim3A_1 = vector.broadcast %broadcast_in_dim3A : f32 to vector<16xf32>
    %mul3A_2 = arith.constant 2 : i32
    %mul3A_3 = arith.muli %add3A, %mul3A_2 : i32
    %add3A_4 = arith.constant 0 : i32
    %add3A_5 = arith.addi %mul3A_3, %add3A_4 : i32
    %dma_start3A = arith.constant 0 : i32
    %dma_start3A_6 = tpu.memref_slice %arg4[%add3A_5, %dma_start3A] : memref<64x100000xf32, #tpu.memory_space<hbm>> -> memref<1x100000xf32, #tpu.memory_space<hbm>>
    %dma_start3A_7 = tpu.memref_squeeze %dma_start3A_6 : memref<1x100000xf32, #tpu.memory_space<hbm>> -> memref<100000xf32, #tpu.memory_space<hbm>>
    %dma_start3A_8 = arith.constant 0 : i32
    %dma_start3A_9 = tpu.memref_slice %arg4[%add3A_5, %dma_start3A_8] : memref<64x100000xf32, #tpu.memory_space<hbm>> -> memref<1x100000xf32, #tpu.memory_space<hbm>>
    %dma_start3A_10 = tpu.memref_squeeze %dma_start3A_9 : memref<1x100000xf32, #tpu.memory_space<hbm>> -> memref<100000xf32, #tpu.memory_space<hbm>>
    tpu.enqueue_dma source(%dma_start3A_10 : memref<100000xf32, #tpu.memory_space<hbm>>) target(%arg7 : memref<100000xf32, #tpu.memory_space<vmem>>) target_semaphore(%arg10 : memref<!tpu.dma_semaphore, #tpu.memory_space<semaphore_mem>>)
    "tpu.region"() ({
      %run_scoped3A = tpu.sem_alloc : memref<!tpu.dma_semaphore, #tpu.memory_space<semaphore_mem>>
      %dma_start3A_927 = arith.constant 0 : i32
      %dma_start3A_928 = tpu.memref_slice %arg2[%add3A_5, %dma_start3A_927] : memref<64x1024xf32, #tpu.memory_space<hbm>> -> memref<1x1024xf32, #tpu.memory_space<hbm>>
      %dma_start3A_929 = tpu.memref_squeeze %dma_start3A_928 : memref<1x1024xf32, #tpu.memory_space<hbm>> -> memref<1024xf32, #tpu.memory_space<hbm>>
      %dma_start3A_930 = arith.constant 0 : i32
      %dma_start3A_931 = tpu.memref_slice %arg2[%add3A_5, %dma_start3A_930] : memref<64x1024xf32, #tpu.memory_space<hbm>> -> memref<1x1024xf32, #tpu.memory_space<hbm>>
      %dma_start3A_932 = tpu.memref_squeeze %dma_start3A_931 : memref<1x1024xf32, #tpu.memory_space<hbm>> -> memref<1024xf32, #tpu.memory_space<hbm>>
      tpu.enqueue_dma source(%dma_start3A_932 : memref<1024xf32, #tpu.memory_space<hbm>>) target(%arg8 : memref<1024xf32, #tpu.memory_space<vmem>>) target_semaphore(%run_scoped3A : memref<!tpu.dma_semaphore, #tpu.memory_space<semaphore_mem>>)
      %dma_wait3A_933 = arith.constant 0 : i32
      %dma_wait3A_934 = tpu.memref_slice %arg2[%add3A_5, %dma_wait3A_933] : memref<64x1024xf32, #tpu.memory_space<hbm>> -> memref<1x1024xf32, #tpu.memory_space<hbm>>
      %dma_wait3A_935 = tpu.memref_squeeze %dma_wait3A_934 : memref<1x1024xf32, #tpu.memory_space<hbm>> -> memref<1024xf32, #tpu.memory_space<hbm>>
      %dma_wait3A_936 = arith.constant 0 : i32
      %dma_wait3A_937 = tpu.memref_slice %arg2[%add3A_5, %dma_wait3A_936] : memref<64x1024xf32, #tpu.memory_space<hbm>> -> memref<1x1024xf32, #tpu.memory_space<hbm>>
      %dma_wait3A_938 = tpu.memref_squeeze %dma_wait3A_937 : memref<1x1024xf32, #tpu.memory_space<hbm>> -> memref<1024xf32, #tpu.memory_space<hbm>>
      tpu.wait_dma2 semaphore(%run_scoped3A : memref<!tpu.dma_semaphore, #tpu.memory_space<semaphore_mem>>) src(%dma_wait3A_938 : memref<1024xf32, #tpu.memory_space<hbm>>) dst(%arg8 : memref<1024xf32, #tpu.memory_space<vmem>>)
      tpu.yield
    }) : () -> ()
    %dma_wait3A = arith.constant 0 : i32
    %dma_wait3A_11 = tpu.memref_slice %arg4[%add3A_5, %dma_wait3A] : memref<64x100000xf32, #tpu.memory_space<hbm>> -> memref<1x100000xf32, #tpu.memory_space<hbm>>
    %dma_wait3A_12 = tpu.memref_squeeze %dma_wait3A_11 : memref<1x100000xf32, #tpu.memory_space<hbm>> -> memref<100000xf32, #tpu.memory_space<hbm>>
    %dma_wait3A_13 = arith.constant 0 : i32
    %dma_wait3A_14 = tpu.memref_slice %arg4[%add3A_5, %dma_wait3A_13] : memref<64x100000xf32, #tpu.memory_space<hbm>> -> memref<1x100000xf32, #tpu.memory_space<hbm>>
    %dma_wait3A_15 = tpu.memref_squeeze %dma_wait3A_14 : memref<1x100000xf32, #tpu.memory_space<hbm>> -> memref<100000xf32, #tpu.memory_space<hbm>>
    tpu.wait_dma2 semaphore(%arg10 : memref<!tpu.dma_semaphore, #tpu.memory_space<semaphore_mem>>) src(%dma_wait3A_15 : memref<100000xf32, #tpu.memory_space<hbm>>) dst(%arg7 : memref<100000xf32, #tpu.memory_space<vmem>>)
    %get3A = arith.constant 0 : index
    %get3A_16 = tpu.vector_load %arg6[%get3A] {strides = array<i32>} : memref<1024xi32, #tpu.memory_space<vmem>>, vector<16xi32>,
    %gather3A = tpu.vector_load_idx %arg7[%get3A_16] : memref<100000xf32, #tpu.memory_space<vmem>>[vector<16xi32>], vector<16xf32>,
    %get3A_17 = arith.constant 0 : index
    %get3A_18 = tpu.vector_load %arg8[%get3A_17] {strides = array<i32>} : memref<1024xf32, #tpu.memory_space<vmem>>, vector<16xf32>,
    %mul3A_19 = arith.mulf %gather3A, %get3A_18 : vector<16xf32>
    %add3A_20 = arith.addf %broadcast_in_dim3A_1, %mul3A_19 : vector<16xf32>
    %get3A_21 = arith.constant 16 : index
    %get3A_22 = tpu.vector_load %arg6[%get3A_21] {strides = array<i32>} : memref<1024xi32, #tpu.memory_space<vmem>>, vector<16xi32>,
    %gather3A_23 = tpu.vector_load_idx %arg7[%get3A_22] : memref<100000xf32, #tpu.memory_space<vmem>>[vector<16xi32>], vector<16xf32>,
    %get3A_24 = arith.constant 16 : index
    %get3A_25 = tpu.vector_load %arg8[%get3A_24] {strides = array<i32>} : memref<1024xf32, #tpu.memory_space<vmem>>, vector<16xf32>,
    %mul3A_26 = arith.mulf %gather3A_23, %get3A_25 : vector<16xf32>
    %add3A_27 = arith.addf %add3A_20, %mul3A_26 : vector<16xf32>
    %get3A_28 = arith.constant 32 : index
    %get3A_29 = tpu.vector_load %arg6[%get3A_28] {strides = array<i32>} : memref<1024xi32, #tpu.memory_space<vmem>>, vector<16xi32>,
    %gather3A_30 = tpu.vector_load_idx %arg7[%get3A_29] : memref<100000xf32, #tpu.memory_space<vmem>>[vector<16xi32>], vector<16xf32>,
    %get3A_31 = arith.constant 32 : index
    %get3A_32 = tpu.vector_load %arg8[%get3A_31] {strides = array<i32>} : memref<1024xf32, #tpu.memory_space<vmem>>, vector<16xf32>,
    %mul3A_33 = arith.mulf %gather3A_30, %get3A_32 : vector<16xf32>
    %add3A_34 = arith.addf %add3A_27, %mul3A_33 : vector<16xf32>
    %get3A_35 = arith.constant 48 : index
    %get3A_36 = tpu.vector_load %arg6[%get3A_35] {strides = array<i32>} : memref<1024xi32, #tpu.memory_space<vmem>>, vector<16xi32>,
    %gather3A_37 = tpu.vector_load_idx %arg7[%get3A_36] : memref<100000xf32, #tpu.memory_space<vmem>>[vector<16xi32>], vector<16xf32>,
    %get3A_38 = arith.constant 48 : index
    %get3A_39 = tpu.vector_load %arg8[%get3A_38] {strides = array<i32>} : memref<1024xf32, #tpu.memory_space<vmem>>, vector<16xf32>,
    %mul3A_40 = arith.mulf %gather3A_37, %get3A_39 : vector<16xf32>
    %add3A_41 = arith.addf %add3A_34, %mul3A_40 : vector<16xf32>
    %get3A_42 = arith.constant 64 : index
    %get3A_43 = tpu.vector_load %arg6[%get3A_42] {strides = array<i32>} : memref<1024xi32, #tpu.memory_space<vmem>>, vector<16xi32>,
    %gather3A_44 = tpu.vector_load_idx %arg7[%get3A_43] : memref<100000xf32, #tpu.memory_space<vmem>>[vector<16xi32>], vector<16xf32>,
    %get3A_45 = arith.constant 64 : index
    %get3A_46 = tpu.vector_load %arg8[%get3A_45] {strides = array<i32>} : memref<1024xf32, #tpu.memory_space<vmem>>, vector<16xf32>,
    %mul3A_47 = arith.mulf %gather3A_44, %get3A_46 : vector<16xf32>
    %add3A_48 = arith.addf %add3A_41, %mul3A_47 : vector<16xf32>
    %get3A_49 = arith.constant 80 : index
    %get3A_50 = tpu.vector_load %arg6[%get3A_49] {strides = array<i32>} : memref<1024xi32, #tpu.memory_space<vmem>>, vector<16xi32>,
    %gather3A_51 = tpu.vector_load_idx %arg7[%get3A_50] : memref<100000xf32, #tpu.memory_space<vmem>>[vector<16xi32>], vector<16xf32>,
    %get3A_52 = arith.constant 80 : index
    %get3A_53 = tpu.vector_load %arg8[%get3A_52] {strides = array<i32>} : memref<1024xf32, #tpu.memory_space<vmem>>, vector<16xf32>,
    %mul3A_54 = arith.mulf %gather3A_51, %get3A_53 : vector<16xf32>
    %add3A_55 = arith.addf %add3A_48, %mul3A_54 : vector<16xf32>
    %get3A_56 = arith.constant 96 : index
    %get3A_57 = tpu.vector_load %arg6[%get3A_56] {strides = array<i32>} : memref<1024xi32, #tpu.memory_space<vmem>>, vector<16xi32>,
    %gather3A_58 = tpu.vector_load_idx %arg7[%get3A_57] : memref<100000xf32, #tpu.memory_space<vmem>>[vector<16xi32>], vector<16xf32>,
    %get3A_59 = arith.constant 96 : index
    %get3A_60 = tpu.vector_load %arg8[%get3A_59] {strides = array<i32>} : memref<1024xf32, #tpu.memory_space<vmem>>, vector<16xf32>,
    %mul3A_61 = arith.mulf %gather3A_58, %get3A_60 : vector<16xf32>
    %add3A_62 = arith.addf %add3A_55, %mul3A_61 : vector<16xf32>
    %get3A_63 = arith.constant 112 : index
    %get3A_64 = tpu.vector_load %arg6[%get3A_63] {strides = array<i32>} : memref<1024xi32, #tpu.memory_space<vmem>>, vector<16xi32>,
    %gather3A_65 = tpu.vector_load_idx %arg7[%get3A_64] : memref<100000xf32, #tpu.memory_space<vmem>>[vector<16xi32>], vector<16xf32>,
    %get3A_66 = arith.constant 112 : index
    %get3A_67 = tpu.vector_load %arg8[%get3A_66] {strides = array<i32>} : memref<1024xf32, #tpu.memory_space<vmem>>, vector<16xf32>,
    %mul3A_68 = arith.mulf %gather3A_65, %get3A_67 : vector<16xf32>
    %add3A_69 = arith.addf %add3A_62, %mul3A_68 : vector<16xf32>
    %get3A_70 = arith.constant 128 : index
    %get3A_71 = tpu.vector_load %arg6[%get3A_70] {strides = array<i32>} : memref<1024xi32, #tpu.memory_space<vmem>>, vector<16xi32>,
    %gather3A_72 = tpu.vector_load_idx %arg7[%get3A_71] : memref<100000xf32, #tpu.memory_space<vmem>>[vector<16xi32>], vector<16xf32>,
    %get3A_73 = arith.constant 128 : index
    %get3A_74 = tpu.vector_load %arg8[%get3A_73] {strides = array<i32>} : memref<1024xf32, #tpu.memory_space<vmem>>, vector<16xf32>,
    %mul3A_75 = arith.mulf %gather3A_72, %get3A_74 : vector<16xf32>
    %add3A_76 = arith.addf %add3A_69, %mul3A_75 : vector<16xf32>
    %get3A_77 = arith.constant 144 : index
    %get3A_78 = tpu.vector_load %arg6[%get3A_77] {strides = array<i32>} : memref<1024xi32, #tpu.memory_space<vmem>>, vector<16xi32>,
    %gather3A_79 = tpu.vector_load_idx %arg7[%get3A_78] : memref<100000xf32, #tpu.memory_space<vmem>>[vector<16xi32>], vector<16xf32>,
    %get3A_80 = arith.constant 144 : index
    %get3A_81 = tpu.vector_load %arg8[%get3A_80] {strides = array<i32>} : memref<1024xf32, #tpu.memory_space<vmem>>, vector<16xf32>,
    %mul3A_82 = arith.mulf %gather3A_79, %get3A_81 : vector<16xf32>
    %add3A_83 = arith.addf %add3A_76, %mul3A_82 : vector<16xf32>
    %get3A_84 = arith.constant 160 : index
    %get3A_85 = tpu.vector_load %arg6[%get3A_84] {strides = array<i32>} : memref<1024xi32, #tpu.memory_space<vmem>>, vector<16xi32>,
    %gather3A_86 = tpu.vector_load_idx %arg7[%get3A_85] : memref<100000xf32, #tpu.memory_space<vmem>>[vector<16xi32>], vector<16xf32>,
    %get3A_87 = arith.constant 160 : index
    %get3A_88 = tpu.vector_load %arg8[%get3A_87] {strides = array<i32>} : memref<1024xf32, #tpu.memory_space<vmem>>, vector<16xf32>,
    %mul3A_89 = arith.mulf %gather3A_86, %get3A_88 : vector<16xf32>
    %add3A_90 = arith.addf %add3A_83, %mul3A_89 : vector<16xf32>
    %get3A_91 = arith.constant 176 : index
    %get3A_92 = tpu.vector_load %arg6[%get3A_91] {strides = array<i32>} : memref<1024xi32, #tpu.memory_space<vmem>>, vector<16xi32>,
    %gather3A_93 = tpu.vector_load_idx %arg7[%get3A_92] : memref<100000xf32, #tpu.memory_space<vmem>>[vector<16xi32>], vector<16xf32>,
    %get3A_94 = arith.constant 176 : index
    %get3A_95 = tpu.vector_load %arg8[%get3A_94] {strides = array<i32>} : memref<1024xf32, #tpu.memory_space<vmem>>, vector<16xf32>,
    %mul3A_96 = arith.mulf %gather3A_93, %get3A_95 : vector<16xf32>
    %add3A_97 = arith.addf %add3A_90, %mul3A_96 : vector<16xf32>
    %get3A_98 = arith.constant 192 : index
    %get3A_99 = tpu.vector_load %arg6[%get3A_98] {strides = array<i32>} : memref<1024xi32, #tpu.memory_space<vmem>>, vector<16xi32>,
    %gather3A_100 = tpu.vector_load_idx %arg7[%get3A_99] : memref<100000xf32, #tpu.memory_space<vmem>>[vector<16xi32>], vector<16xf32>,
    %get3A_101 = arith.constant 192 : index
    %get3A_102 = tpu.vector_load %arg8[%get3A_101] {strides = array<i32>} : memref<1024xf32, #tpu.memory_space<vmem>>, vector<16xf32>,
    %mul3A_103 = arith.mulf %gather3A_100, %get3A_102 : vector<16xf32>
    %add3A_104 = arith.addf %add3A_97, %mul3A_103 : vector<16xf32>
    %get3A_105 = arith.constant 208 : index
    %get3A_106 = tpu.vector_load %arg6[%get3A_105] {strides = array<i32>} : memref<1024xi32, #tpu.memory_space<vmem>>, vector<16xi32>,
    %gather3A_107 = tpu.vector_load_idx %arg7[%get3A_106] : memref<100000xf32, #tpu.memory_space<vmem>>[vector<16xi32>], vector<16xf32>,
    %get3A_108 = arith.constant 208 : index
    %get3A_109 = tpu.vector_load %arg8[%get3A_108] {strides = array<i32>} : memref<1024xf32, #tpu.memory_space<vmem>>, vector<16xf32>,
    %mul3A_110 = arith.mulf %gather3A_107, %get3A_109 : vector<16xf32>
    %add3A_111 = arith.addf %add3A_104, %mul3A_110 : vector<16xf32>
    %get3A_112 = arith.constant 224 : index
    %get3A_113 = tpu.vector_load %arg6[%get3A_112] {strides = array<i32>} : memref<1024xi32, #tpu.memory_space<vmem>>, vector<16xi32>,
    %gather3A_114 = tpu.vector_load_idx %arg7[%get3A_113] : memref<100000xf32, #tpu.memory_space<vmem>>[vector<16xi32>], vector<16xf32>,
    %get3A_115 = arith.constant 224 : index
    %get3A_116 = tpu.vector_load %arg8[%get3A_115] {strides = array<i32>} : memref<1024xf32, #tpu.memory_space<vmem>>, vector<16xf32>,
    %mul3A_117 = arith.mulf %gather3A_114, %get3A_116 : vector<16xf32>
    %add3A_118 = arith.addf %add3A_111, %mul3A_117 : vector<16xf32>
    %get3A_119 = arith.constant 240 : index
    %get3A_120 = tpu.vector_load %arg6[%get3A_119] {strides = array<i32>} : memref<1024xi32, #tpu.memory_space<vmem>>, vector<16xi32>,
    %gather3A_121 = tpu.vector_load_idx %arg7[%get3A_120] : memref<100000xf32, #tpu.memory_space<vmem>>[vector<16xi32>], vector<16xf32>,
    %get3A_122 = arith.constant 240 : index
    %get3A_123 = tpu.vector_load %arg8[%get3A_122] {strides = array<i32>} : memref<1024xf32, #tpu.memory_space<vmem>>, vector<16xf32>,
    %mul3A_124 = arith.mulf %gather3A_121, %get3A_123 : vector<16xf32>
    %add3A_125 = arith.addf %add3A_118, %mul3A_124 : vector<16xf32>
    %get3A_126 = arith.constant 256 : index
    %get3A_127 = tpu.vector_load %arg6[%get3A_126] {strides = array<i32>} : memref<1024xi32, #tpu.memory_space<vmem>>, vector<16xi32>,
    %gather3A_128 = tpu.vector_load_idx %arg7[%get3A_127] : memref<100000xf32, #tpu.memory_space<vmem>>[vector<16xi32>], vector<16xf32>,
    %get3A_129 = arith.constant 256 : index
    %get3A_130 = tpu.vector_load %arg8[%get3A_129] {strides = array<i32>} : memref<1024xf32, #tpu.memory_space<vmem>>, vector<16xf32>,
    %mul3A_131 = arith.mulf %gather3A_128, %get3A_130 : vector<16xf32>
    %add3A_132 = arith.addf %add3A_125, %mul3A_131 : vector<16xf32>
    %get3A_133 = arith.constant 272 : index
    %get3A_134 = tpu.vector_load %arg6[%get3A_133] {strides = array<i32>} : memref<1024xi32, #tpu.memory_space<vmem>>, vector<16xi32>,
    %gather3A_135 = tpu.vector_load_idx %arg7[%get3A_134] : memref<100000xf32, #tpu.memory_space<vmem>>[vector<16xi32>], vector<16xf32>,
    %get3A_136 = arith.constant 272 : index
    %get3A_137 = tpu.vector_load %arg8[%get3A_136] {strides = array<i32>} : memref<1024xf32, #tpu.memory_space<vmem>>, vector<16xf32>,
    %mul3A_138 = arith.mulf %gather3A_135, %get3A_137 : vector<16xf32>
    %add3A_139 = arith.addf %add3A_132, %mul3A_138 : vector<16xf32>
    %get3A_140 = arith.constant 288 : index
    %get3A_141 = tpu.vector_load %arg6[%get3A_140] {strides = array<i32>} : memref<1024xi32, #tpu.memory_space<vmem>>, vector<16xi32>,
    %gather3A_142 = tpu.vector_load_idx %arg7[%get3A_141] : memref<100000xf32, #tpu.memory_space<vmem>>[vector<16xi32>], vector<16xf32>,
    %get3A_143 = arith.constant 288 : index
    %get3A_144 = tpu.vector_load %arg8[%get3A_143] {strides = array<i32>} : memref<1024xf32, #tpu.memory_space<vmem>>, vector<16xf32>,
    %mul3A_145 = arith.mulf %gather3A_142, %get3A_144 : vector<16xf32>
    %add3A_146 = arith.addf %add3A_139, %mul3A_145 : vector<16xf32>
    %get3A_147 = arith.constant 304 : index
    %get3A_148 = tpu.vector_load %arg6[%get3A_147] {strides = array<i32>} : memref<1024xi32, #tpu.memory_space<vmem>>, vector<16xi32>,
    %gather3A_149 = tpu.vector_load_idx %arg7[%get3A_148] : memref<100000xf32, #tpu.memory_space<vmem>>[vector<16xi32>], vector<16xf32>,
    %get3A_150 = arith.constant 304 : index
    %get3A_151 = tpu.vector_load %arg8[%get3A_150] {strides = array<i32>} : memref<1024xf32, #tpu.memory_space<vmem>>, vector<16xf32>,
    %mul3A_152 = arith.mulf %gather3A_149, %get3A_151 : vector<16xf32>
    %add3A_153 = arith.addf %add3A_146, %mul3A_152 : vector<16xf32>
    %get3A_154 = arith.constant 320 : index
    %get3A_155 = tpu.vector_load %arg6[%get3A_154] {strides = array<i32>} : memref<1024xi32, #tpu.memory_space<vmem>>, vector<16xi32>,
    %gather3A_156 = tpu.vector_load_idx %arg7[%get3A_155] : memref<100000xf32, #tpu.memory_space<vmem>>[vector<16xi32>], vector<16xf32>,
    %get3A_157 = arith.constant 320 : index
    %get3A_158 = tpu.vector_load %arg8[%get3A_157] {strides = array<i32>} : memref<1024xf32, #tpu.memory_space<vmem>>, vector<16xf32>,
    %mul3A_159 = arith.mulf %gather3A_156, %get3A_158 : vector<16xf32>
    %add3A_160 = arith.addf %add3A_153, %mul3A_159 : vector<16xf32>
    %get3A_161 = arith.constant 336 : index
    %get3A_162 = tpu.vector_load %arg6[%get3A_161] {strides = array<i32>} : memref<1024xi32, #tpu.memory_space<vmem>>, vector<16xi32>,
    %gather3A_163 = tpu.vector_load_idx %arg7[%get3A_162] : memref<100000xf32, #tpu.memory_space<vmem>>[vector<16xi32>], vector<16xf32>,
    %get3A_164 = arith.constant 336 : index
    %get3A_165 = tpu.vector_load %arg8[%get3A_164] {strides = array<i32>} : memref<1024xf32, #tpu.memory_space<vmem>>, vector<16xf32>,
    %mul3A_166 = arith.mulf %gather3A_163, %get3A_165 : vector<16xf32>
    %add3A_167 = arith.addf %add3A_160, %mul3A_166 : vector<16xf32>
    %get3A_168 = arith.constant 352 : index
    %get3A_169 = tpu.vector_load %arg6[%get3A_168] {strides = array<i32>} : memref<1024xi32, #tpu.memory_space<vmem>>, vector<16xi32>,
    %gather3A_170 = tpu.vector_load_idx %arg7[%get3A_169] : memref<100000xf32, #tpu.memory_space<vmem>>[vector<16xi32>], vector<16xf32>,
    %get3A_171 = arith.constant 352 : index
    %get3A_172 = tpu.vector_load %arg8[%get3A_171] {strides = array<i32>} : memref<1024xf32, #tpu.memory_space<vmem>>, vector<16xf32>,
    %mul3A_173 = arith.mulf %gather3A_170, %get3A_172 : vector<16xf32>
    %add3A_174 = arith.addf %add3A_167, %mul3A_173 : vector<16xf32>
    %get3A_175 = arith.constant 368 : index
    %get3A_176 = tpu.vector_load %arg6[%get3A_175] {strides = array<i32>} : memref<1024xi32, #tpu.memory_space<vmem>>, vector<16xi32>,
    %gather3A_177 = tpu.vector_load_idx %arg7[%get3A_176] : memref<100000xf32, #tpu.memory_space<vmem>>[vector<16xi32>], vector<16xf32>,
    %get3A_178 = arith.constant 368 : index
    %get3A_179 = tpu.vector_load %arg8[%get3A_178] {strides = array<i32>} : memref<1024xf32, #tpu.memory_space<vmem>>, vector<16xf32>,
    %mul3A_180 = arith.mulf %gather3A_177, %get3A_179 : vector<16xf32>
    %add3A_181 = arith.addf %add3A_174, %mul3A_180 : vector<16xf32>
    %get3A_182 = arith.constant 384 : index
    %get3A_183 = tpu.vector_load %arg6[%get3A_182] {strides = array<i32>} : memref<1024xi32, #tpu.memory_space<vmem>>, vector<16xi32>,
    %gather3A_184 = tpu.vector_load_idx %arg7[%get3A_183] : memref<100000xf32, #tpu.memory_space<vmem>>[vector<16xi32>], vector<16xf32>,
    %get3A_185 = arith.constant 384 : index
    %get3A_186 = tpu.vector_load %arg8[%get3A_185] {strides = array<i32>} : memref<1024xf32, #tpu.memory_space<vmem>>, vector<16xf32>,
    %mul3A_187 = arith.mulf %gather3A_184, %get3A_186 : vector<16xf32>
    %add3A_188 = arith.addf %add3A_181, %mul3A_187 : vector<16xf32>
    %get3A_189 = arith.constant 400 : index
    %get3A_190 = tpu.vector_load %arg6[%get3A_189] {strides = array<i32>} : memref<1024xi32, #tpu.memory_space<vmem>>, vector<16xi32>,
    %gather3A_191 = tpu.vector_load_idx %arg7[%get3A_190] : memref<100000xf32, #tpu.memory_space<vmem>>[vector<16xi32>], vector<16xf32>,
    %get3A_192 = arith.constant 400 : index
    %get3A_193 = tpu.vector_load %arg8[%get3A_192] {strides = array<i32>} : memref<1024xf32, #tpu.memory_space<vmem>>, vector<16xf32>,
    %mul3A_194 = arith.mulf %gather3A_191, %get3A_193 : vector<16xf32>
    %add3A_195 = arith.addf %add3A_188, %mul3A_194 : vector<16xf32>
    %get3A_196 = arith.constant 416 : index
    %get3A_197 = tpu.vector_load %arg6[%get3A_196] {strides = array<i32>} : memref<1024xi32, #tpu.memory_space<vmem>>, vector<16xi32>,
    %gather3A_198 = tpu.vector_load_idx %arg7[%get3A_197] : memref<100000xf32, #tpu.memory_space<vmem>>[vector<16xi32>], vector<16xf32>,
    %get3A_199 = arith.constant 416 : index
    %get3A_200 = tpu.vector_load %arg8[%get3A_199] {strides = array<i32>} : memref<1024xf32, #tpu.memory_space<vmem>>, vector<16xf32>,
    %mul3A_201 = arith.mulf %gather3A_198, %get3A_200 : vector<16xf32>
    %add3A_202 = arith.addf %add3A_195, %mul3A_201 : vector<16xf32>
    %get3A_203 = arith.constant 432 : index
    %get3A_204 = tpu.vector_load %arg6[%get3A_203] {strides = array<i32>} : memref<1024xi32, #tpu.memory_space<vmem>>, vector<16xi32>,
    %gather3A_205 = tpu.vector_load_idx %arg7[%get3A_204] : memref<100000xf32, #tpu.memory_space<vmem>>[vector<16xi32>], vector<16xf32>,
    %get3A_206 = arith.constant 432 : index
    %get3A_207 = tpu.vector_load %arg8[%get3A_206] {strides = array<i32>} : memref<1024xf32, #tpu.memory_space<vmem>>, vector<16xf32>,
    %mul3A_208 = arith.mulf %gather3A_205, %get3A_207 : vector<16xf32>
    %add3A_209 = arith.addf %add3A_202, %mul3A_208 : vector<16xf32>
    %get3A_210 = arith.constant 448 : index
    %get3A_211 = tpu.vector_load %arg6[%get3A_210] {strides = array<i32>} : memref<1024xi32, #tpu.memory_space<vmem>>, vector<16xi32>,
    %gather3A_212 = tpu.vector_load_idx %arg7[%get3A_211] : memref<100000xf32, #tpu.memory_space<vmem>>[vector<16xi32>], vector<16xf32>,
    %get3A_213 = arith.constant 448 : index
    %get3A_214 = tpu.vector_load %arg8[%get3A_213] {strides = array<i32>} : memref<1024xf32, #tpu.memory_space<vmem>>, vector<16xf32>,
    %mul3A_215 = arith.mulf %gather3A_212, %get3A_214 : vector<16xf32>
    %add3A_216 = arith.addf %add3A_209, %mul3A_215 : vector<16xf32>
    %get3A_217 = arith.constant 464 : index
    %get3A_218 = tpu.vector_load %arg6[%get3A_217] {strides = array<i32>} : memref<1024xi32, #tpu.memory_space<vmem>>, vector<16xi32>,
    %gather3A_219 = tpu.vector_load_idx %arg7[%get3A_218] : memref<100000xf32, #tpu.memory_space<vmem>>[vector<16xi32>], vector<16xf32>,
    %get3A_220 = arith.constant 464 : index
    %get3A_221 = tpu.vector_load %arg8[%get3A_220] {strides = array<i32>} : memref<1024xf32, #tpu.memory_space<vmem>>, vector<16xf32>,
    %mul3A_222 = arith.mulf %gather3A_219, %get3A_221 : vector<16xf32>
    %add3A_223 = arith.addf %add3A_216, %mul3A_222 : vector<16xf32>
    %get3A_224 = arith.constant 480 : index
    %get3A_225 = tpu.vector_load %arg6[%get3A_224] {strides = array<i32>} : memref<1024xi32, #tpu.memory_space<vmem>>, vector<16xi32>,
    %gather3A_226 = tpu.vector_load_idx %arg7[%get3A_225] : memref<100000xf32, #tpu.memory_space<vmem>>[vector<16xi32>], vector<16xf32>,
    %get3A_227 = arith.constant 480 : index
    %get3A_228 = tpu.vector_load %arg8[%get3A_227] {strides = array<i32>} : memref<1024xf32, #tpu.memory_space<vmem>>, vector<16xf32>,
    %mul3A_229 = arith.mulf %gather3A_226, %get3A_228 : vector<16xf32>
    %add3A_230 = arith.addf %add3A_223, %mul3A_229 : vector<16xf32>
    %get3A_231 = arith.constant 496 : index
    %get3A_232 = tpu.vector_load %arg6[%get3A_231] {strides = array<i32>} : memref<1024xi32, #tpu.memory_space<vmem>>, vector<16xi32>,
    %gather3A_233 = tpu.vector_load_idx %arg7[%get3A_232] : memref<100000xf32, #tpu.memory_space<vmem>>[vector<16xi32>], vector<16xf32>,
    %get3A_234 = arith.constant 496 : index
    %get3A_235 = tpu.vector_load %arg8[%get3A_234] {strides = array<i32>} : memref<1024xf32, #tpu.memory_space<vmem>>, vector<16xf32>,
    %mul3A_236 = arith.mulf %gather3A_233, %get3A_235 : vector<16xf32>
    %add3A_237 = arith.addf %add3A_230, %mul3A_236 : vector<16xf32>
    %get3A_238 = arith.constant 512 : index
    %get3A_239 = tpu.vector_load %arg6[%get3A_238] {strides = array<i32>} : memref<1024xi32, #tpu.memory_space<vmem>>, vector<16xi32>,
    %gather3A_240 = tpu.vector_load_idx %arg7[%get3A_239] : memref<100000xf32, #tpu.memory_space<vmem>>[vector<16xi32>], vector<16xf32>,
    %get3A_241 = arith.constant 512 : index
    %get3A_242 = tpu.vector_load %arg8[%get3A_241] {strides = array<i32>} : memref<1024xf32, #tpu.memory_space<vmem>>, vector<16xf32>,
    %mul3A_243 = arith.mulf %gather3A_240, %get3A_242 : vector<16xf32>
    %add3A_244 = arith.addf %add3A_237, %mul3A_243 : vector<16xf32>
    %get3A_245 = arith.constant 528 : index
    %get3A_246 = tpu.vector_load %arg6[%get3A_245] {strides = array<i32>} : memref<1024xi32, #tpu.memory_space<vmem>>, vector<16xi32>,
    %gather3A_247 = tpu.vector_load_idx %arg7[%get3A_246] : memref<100000xf32, #tpu.memory_space<vmem>>[vector<16xi32>], vector<16xf32>,
    %get3A_248 = arith.constant 528 : index
    %get3A_249 = tpu.vector_load %arg8[%get3A_248] {strides = array<i32>} : memref<1024xf32, #tpu.memory_space<vmem>>, vector<16xf32>,
    %mul3A_250 = arith.mulf %gather3A_247, %get3A_249 : vector<16xf32>
    %add3A_251 = arith.addf %add3A_244, %mul3A_250 : vector<16xf32>
    %get3A_252 = arith.constant 544 : index
    %get3A_253 = tpu.vector_load %arg6[%get3A_252] {strides = array<i32>} : memref<1024xi32, #tpu.memory_space<vmem>>, vector<16xi32>,
    %gather3A_254 = tpu.vector_load_idx %arg7[%get3A_253] : memref<100000xf32, #tpu.memory_space<vmem>>[vector<16xi32>], vector<16xf32>,
    %get3A_255 = arith.constant 544 : index
    %get3A_256 = tpu.vector_load %arg8[%get3A_255] {strides = array<i32>} : memref<1024xf32, #tpu.memory_space<vmem>>, vector<16xf32>,
    %mul3A_257 = arith.mulf %gather3A_254, %get3A_256 : vector<16xf32>
    %add3A_258 = arith.addf %add3A_251, %mul3A_257 : vector<16xf32>
    %get3A_259 = arith.constant 560 : index
    %get3A_260 = tpu.vector_load %arg6[%get3A_259] {strides = array<i32>} : memref<1024xi32, #tpu.memory_space<vmem>>, vector<16xi32>,
    %gather3A_261 = tpu.vector_load_idx %arg7[%get3A_260] : memref<100000xf32, #tpu.memory_space<vmem>>[vector<16xi32>], vector<16xf32>,
    %get3A_262 = arith.constant 560 : index
    %get3A_263 = tpu.vector_load %arg8[%get3A_262] {strides = array<i32>} : memref<1024xf32, #tpu.memory_space<vmem>>, vector<16xf32>,
    %mul3A_264 = arith.mulf %gather3A_261, %get3A_263 : vector<16xf32>
    %add3A_265 = arith.addf %add3A_258, %mul3A_264 : vector<16xf32>
    %get3A_266 = arith.constant 576 : index
    %get3A_267 = tpu.vector_load %arg6[%get3A_266] {strides = array<i32>} : memref<1024xi32, #tpu.memory_space<vmem>>, vector<16xi32>,
    %gather3A_268 = tpu.vector_load_idx %arg7[%get3A_267] : memref<100000xf32, #tpu.memory_space<vmem>>[vector<16xi32>], vector<16xf32>,
    %get3A_269 = arith.constant 576 : index
    %get3A_270 = tpu.vector_load %arg8[%get3A_269] {strides = array<i32>} : memref<1024xf32, #tpu.memory_space<vmem>>, vector<16xf32>,
    %mul3A_271 = arith.mulf %gather3A_268, %get3A_270 : vector<16xf32>
    %add3A_272 = arith.addf %add3A_265, %mul3A_271 : vector<16xf32>
    %get3A_273 = arith.constant 592 : index
    %get3A_274 = tpu.vector_load %arg6[%get3A_273] {strides = array<i32>} : memref<1024xi32, #tpu.memory_space<vmem>>, vector<16xi32>,
    %gather3A_275 = tpu.vector_load_idx %arg7[%get3A_274] : memref<100000xf32, #tpu.memory_space<vmem>>[vector<16xi32>], vector<16xf32>,
    %get3A_276 = arith.constant 592 : index
    %get3A_277 = tpu.vector_load %arg8[%get3A_276] {strides = array<i32>} : memref<1024xf32, #tpu.memory_space<vmem>>, vector<16xf32>,
    %mul3A_278 = arith.mulf %gather3A_275, %get3A_277 : vector<16xf32>
    %add3A_279 = arith.addf %add3A_272, %mul3A_278 : vector<16xf32>
    %get3A_280 = arith.constant 608 : index
    %get3A_281 = tpu.vector_load %arg6[%get3A_280] {strides = array<i32>} : memref<1024xi32, #tpu.memory_space<vmem>>, vector<16xi32>,
    %gather3A_282 = tpu.vector_load_idx %arg7[%get3A_281] : memref<100000xf32, #tpu.memory_space<vmem>>[vector<16xi32>], vector<16xf32>,
    %get3A_283 = arith.constant 608 : index
    %get3A_284 = tpu.vector_load %arg8[%get3A_283] {strides = array<i32>} : memref<1024xf32, #tpu.memory_space<vmem>>, vector<16xf32>,
    %mul3A_285 = arith.mulf %gather3A_282, %get3A_284 : vector<16xf32>
    %add3A_286 = arith.addf %add3A_279, %mul3A_285 : vector<16xf32>
    %get3A_287 = arith.constant 624 : index
    %get3A_288 = tpu.vector_load %arg6[%get3A_287] {strides = array<i32>} : memref<1024xi32, #tpu.memory_space<vmem>>, vector<16xi32>,
    %gather3A_289 = tpu.vector_load_idx %arg7[%get3A_288] : memref<100000xf32, #tpu.memory_space<vmem>>[vector<16xi32>], vector<16xf32>,
    %get3A_290 = arith.constant 624 : index
    %get3A_291 = tpu.vector_load %arg8[%get3A_290] {strides = array<i32>} : memref<1024xf32, #tpu.memory_space<vmem>>, vector<16xf32>,
    %mul3A_292 = arith.mulf %gather3A_289, %get3A_291 : vector<16xf32>
    %add3A_293 = arith.addf %add3A_286, %mul3A_292 : vector<16xf32>
    %get3A_294 = arith.constant 640 : index
    %get3A_295 = tpu.vector_load %arg6[%get3A_294] {strides = array<i32>} : memref<1024xi32, #tpu.memory_space<vmem>>, vector<16xi32>,
    %gather3A_296 = tpu.vector_load_idx %arg7[%get3A_295] : memref<100000xf32, #tpu.memory_space<vmem>>[vector<16xi32>], vector<16xf32>,
    %get3A_297 = arith.constant 640 : index
    %get3A_298 = tpu.vector_load %arg8[%get3A_297] {strides = array<i32>} : memref<1024xf32, #tpu.memory_space<vmem>>, vector<16xf32>,
    %mul3A_299 = arith.mulf %gather3A_296, %get3A_298 : vector<16xf32>
    %add3A_300 = arith.addf %add3A_293, %mul3A_299 : vector<16xf32>
    %get3A_301 = arith.constant 656 : index
    %get3A_302 = tpu.vector_load %arg6[%get3A_301] {strides = array<i32>} : memref<1024xi32, #tpu.memory_space<vmem>>, vector<16xi32>,
    %gather3A_303 = tpu.vector_load_idx %arg7[%get3A_302] : memref<100000xf32, #tpu.memory_space<vmem>>[vector<16xi32>], vector<16xf32>,
    %get3A_304 = arith.constant 656 : index
    %get3A_305 = tpu.vector_load %arg8[%get3A_304] {strides = array<i32>} : memref<1024xf32, #tpu.memory_space<vmem>>, vector<16xf32>,
    %mul3A_306 = arith.mulf %gather3A_303, %get3A_305 : vector<16xf32>
    %add3A_307 = arith.addf %add3A_300, %mul3A_306 : vector<16xf32>
    %get3A_308 = arith.constant 672 : index
    %get3A_309 = tpu.vector_load %arg6[%get3A_308] {strides = array<i32>} : memref<1024xi32, #tpu.memory_space<vmem>>, vector<16xi32>,
    %gather3A_310 = tpu.vector_load_idx %arg7[%get3A_309] : memref<100000xf32, #tpu.memory_space<vmem>>[vector<16xi32>], vector<16xf32>,
    %get3A_311 = arith.constant 672 : index
    %get3A_312 = tpu.vector_load %arg8[%get3A_311] {strides = array<i32>} : memref<1024xf32, #tpu.memory_space<vmem>>, vector<16xf32>,
    %mul3A_313 = arith.mulf %gather3A_310, %get3A_312 : vector<16xf32>
    %add3A_314 = arith.addf %add3A_307, %mul3A_313 : vector<16xf32>
    %get3A_315 = arith.constant 688 : index
    %get3A_316 = tpu.vector_load %arg6[%get3A_315] {strides = array<i32>} : memref<1024xi32, #tpu.memory_space<vmem>>, vector<16xi32>,
    %gather3A_317 = tpu.vector_load_idx %arg7[%get3A_316] : memref<100000xf32, #tpu.memory_space<vmem>>[vector<16xi32>], vector<16xf32>,
    %get3A_318 = arith.constant 688 : index
    %get3A_319 = tpu.vector_load %arg8[%get3A_318] {strides = array<i32>} : memref<1024xf32, #tpu.memory_space<vmem>>, vector<16xf32>,
    %mul3A_320 = arith.mulf %gather3A_317, %get3A_319 : vector<16xf32>
    %add3A_321 = arith.addf %add3A_314, %mul3A_320 : vector<16xf32>
    %get3A_322 = arith.constant 704 : index
    %get3A_323 = tpu.vector_load %arg6[%get3A_322] {strides = array<i32>} : memref<1024xi32, #tpu.memory_space<vmem>>, vector<16xi32>,
    %gather3A_324 = tpu.vector_load_idx %arg7[%get3A_323] : memref<100000xf32, #tpu.memory_space<vmem>>[vector<16xi32>], vector<16xf32>,
    %get3A_325 = arith.constant 704 : index
    %get3A_326 = tpu.vector_load %arg8[%get3A_325] {strides = array<i32>} : memref<1024xf32, #tpu.memory_space<vmem>>, vector<16xf32>,
    %mul3A_327 = arith.mulf %gather3A_324, %get3A_326 : vector<16xf32>
    %add3A_328 = arith.addf %add3A_321, %mul3A_327 : vector<16xf32>
    %get3A_329 = arith.constant 720 : index
    %get3A_330 = tpu.vector_load %arg6[%get3A_329] {strides = array<i32>} : memref<1024xi32, #tpu.memory_space<vmem>>, vector<16xi32>,
    %gather3A_331 = tpu.vector_load_idx %arg7[%get3A_330] : memref<100000xf32, #tpu.memory_space<vmem>>[vector<16xi32>], vector<16xf32>,
    %get3A_332 = arith.constant 720 : index
    %get3A_333 = tpu.vector_load %arg8[%get3A_332] {strides = array<i32>} : memref<1024xf32, #tpu.memory_space<vmem>>, vector<16xf32>,
    %mul3A_334 = arith.mulf %gather3A_331, %get3A_333 : vector<16xf32>
    %add3A_335 = arith.addf %add3A_328, %mul3A_334 : vector<16xf32>
    %get3A_336 = arith.constant 736 : index
    %get3A_337 = tpu.vector_load %arg6[%get3A_336] {strides = array<i32>} : memref<1024xi32, #tpu.memory_space<vmem>>, vector<16xi32>,
    %gather3A_338 = tpu.vector_load_idx %arg7[%get3A_337] : memref<100000xf32, #tpu.memory_space<vmem>>[vector<16xi32>], vector<16xf32>,
    %get3A_339 = arith.constant 736 : index
    %get3A_340 = tpu.vector_load %arg8[%get3A_339] {strides = array<i32>} : memref<1024xf32, #tpu.memory_space<vmem>>, vector<16xf32>,
    %mul3A_341 = arith.mulf %gather3A_338, %get3A_340 : vector<16xf32>
    %add3A_342 = arith.addf %add3A_335, %mul3A_341 : vector<16xf32>
    %get3A_343 = arith.constant 752 : index
    %get3A_344 = tpu.vector_load %arg6[%get3A_343] {strides = array<i32>} : memref<1024xi32, #tpu.memory_space<vmem>>, vector<16xi32>,
    %gather3A_345 = tpu.vector_load_idx %arg7[%get3A_344] : memref<100000xf32, #tpu.memory_space<vmem>>[vector<16xi32>], vector<16xf32>,
    %get3A_346 = arith.constant 752 : index
    %get3A_347 = tpu.vector_load %arg8[%get3A_346] {strides = array<i32>} : memref<1024xf32, #tpu.memory_space<vmem>>, vector<16xf32>,
    %mul3A_348 = arith.mulf %gather3A_345, %get3A_347 : vector<16xf32>
    %add3A_349 = arith.addf %add3A_342, %mul3A_348 : vector<16xf32>
    %get3A_350 = arith.constant 768 : index
    %get3A_351 = tpu.vector_load %arg6[%get3A_350] {strides = array<i32>} : memref<1024xi32, #tpu.memory_space<vmem>>, vector<16xi32>,
    %gather3A_352 = tpu.vector_load_idx %arg7[%get3A_351] : memref<100000xf32, #tpu.memory_space<vmem>>[vector<16xi32>], vector<16xf32>,
    %get3A_353 = arith.constant 768 : index
    %get3A_354 = tpu.vector_load %arg8[%get3A_353] {strides = array<i32>} : memref<1024xf32, #tpu.memory_space<vmem>>, vector<16xf32>,
    %mul3A_355 = arith.mulf %gather3A_352, %get3A_354 : vector<16xf32>
    %add3A_356 = arith.addf %add3A_349, %mul3A_355 : vector<16xf32>
    %get3A_357 = arith.constant 784 : index
    %get3A_358 = tpu.vector_load %arg6[%get3A_357] {strides = array<i32>} : memref<1024xi32, #tpu.memory_space<vmem>>, vector<16xi32>,
    %gather3A_359 = tpu.vector_load_idx %arg7[%get3A_358] : memref<100000xf32, #tpu.memory_space<vmem>>[vector<16xi32>], vector<16xf32>,
    %get3A_360 = arith.constant 784 : index
    %get3A_361 = tpu.vector_load %arg8[%get3A_360] {strides = array<i32>} : memref<1024xf32, #tpu.memory_space<vmem>>, vector<16xf32>,
    %mul3A_362 = arith.mulf %gather3A_359, %get3A_361 : vector<16xf32>
    %add3A_363 = arith.addf %add3A_356, %mul3A_362 : vector<16xf32>
    %get3A_364 = arith.constant 800 : index
    %get3A_365 = tpu.vector_load %arg6[%get3A_364] {strides = array<i32>} : memref<1024xi32, #tpu.memory_space<vmem>>, vector<16xi32>,
    %gather3A_366 = tpu.vector_load_idx %arg7[%get3A_365] : memref<100000xf32, #tpu.memory_space<vmem>>[vector<16xi32>], vector<16xf32>,
    %get3A_367 = arith.constant 800 : index
    %get3A_368 = tpu.vector_load %arg8[%get3A_367] {strides = array<i32>} : memref<1024xf32, #tpu.memory_space<vmem>>, vector<16xf32>,
    %mul3A_369 = arith.mulf %gather3A_366, %get3A_368 : vector<16xf32>
    %add3A_370 = arith.addf %add3A_363, %mul3A_369 : vector<16xf32>
    %get3A_371 = arith.constant 816 : index
    %get3A_372 = tpu.vector_load %arg6[%get3A_371] {strides = array<i32>} : memref<1024xi32, #tpu.memory_space<vmem>>, vector<16xi32>,
    %gather3A_373 = tpu.vector_load_idx %arg7[%get3A_372] : memref<100000xf32, #tpu.memory_space<vmem>>[vector<16xi32>], vector<16xf32>,
    %get3A_374 = arith.constant 816 : index
    %get3A_375 = tpu.vector_load %arg8[%get3A_374] {strides = array<i32>} : memref<1024xf32, #tpu.memory_space<vmem>>, vector<16xf32>,
    %mul3A_376 = arith.mulf %gather3A_373, %get3A_375 : vector<16xf32>
    %add3A_377 = arith.addf %add3A_370, %mul3A_376 : vector<16xf32>
    %get3A_378 = arith.constant 832 : index
    %get3A_379 = tpu.vector_load %arg6[%get3A_378] {strides = array<i32>} : memref<1024xi32, #tpu.memory_space<vmem>>, vector<16xi32>,
    %gather3A_380 = tpu.vector_load_idx %arg7[%get3A_379] : memref<100000xf32, #tpu.memory_space<vmem>>[vector<16xi32>], vector<16xf32>,
    %get3A_381 = arith.constant 832 : index
    %get3A_382 = tpu.vector_load %arg8[%get3A_381] {strides = array<i32>} : memref<1024xf32, #tpu.memory_space<vmem>>, vector<16xf32>,
    %mul3A_383 = arith.mulf %gather3A_380, %get3A_382 : vector<16xf32>
    %add3A_384 = arith.addf %add3A_377, %mul3A_383 : vector<16xf32>
    %get3A_385 = arith.constant 848 : index
    %get3A_386 = tpu.vector_load %arg6[%get3A_385] {strides = array<i32>} : memref<1024xi32, #tpu.memory_space<vmem>>, vector<16xi32>,
    %gather3A_387 = tpu.vector_load_idx %arg7[%get3A_386] : memref<100000xf32, #tpu.memory_space<vmem>>[vector<16xi32>], vector<16xf32>,
    %get3A_388 = arith.constant 848 : index
    %get3A_389 = tpu.vector_load %arg8[%get3A_388] {strides = array<i32>} : memref<1024xf32, #tpu.memory_space<vmem>>, vector<16xf32>,
    %mul3A_390 = arith.mulf %gather3A_387, %get3A_389 : vector<16xf32>
    %add3A_391 = arith.addf %add3A_384, %mul3A_390 : vector<16xf32>
    %get3A_392 = arith.constant 864 : index
    %get3A_393 = tpu.vector_load %arg6[%get3A_392] {strides = array<i32>} : memref<1024xi32, #tpu.memory_space<vmem>>, vector<16xi32>,
    %gather3A_394 = tpu.vector_load_idx %arg7[%get3A_393] : memref<100000xf32, #tpu.memory_space<vmem>>[vector<16xi32>], vector<16xf32>,
    %get3A_395 = arith.constant 864 : index
    %get3A_396 = tpu.vector_load %arg8[%get3A_395] {strides = array<i32>} : memref<1024xf32, #tpu.memory_space<vmem>>, vector<16xf32>,
    %mul3A_397 = arith.mulf %gather3A_394, %get3A_396 : vector<16xf32>
    %add3A_398 = arith.addf %add3A_391, %mul3A_397 : vector<16xf32>
    %get3A_399 = arith.constant 880 : index
    %get3A_400 = tpu.vector_load %arg6[%get3A_399] {strides = array<i32>} : memref<1024xi32, #tpu.memory_space<vmem>>, vector<16xi32>,
    %gather3A_401 = tpu.vector_load_idx %arg7[%get3A_400] : memref<100000xf32, #tpu.memory_space<vmem>>[vector<16xi32>], vector<16xf32>,
    %get3A_402 = arith.constant 880 : index
    %get3A_403 = tpu.vector_load %arg8[%get3A_402] {strides = array<i32>} : memref<1024xf32, #tpu.memory_space<vmem>>, vector<16xf32>,
    %mul3A_404 = arith.mulf %gather3A_401, %get3A_403 : vector<16xf32>
    %add3A_405 = arith.addf %add3A_398, %mul3A_404 : vector<16xf32>
    %get3A_406 = arith.constant 896 : index
    %get3A_407 = tpu.vector_load %arg6[%get3A_406] {strides = array<i32>} : memref<1024xi32, #tpu.memory_space<vmem>>, vector<16xi32>,
    %gather3A_408 = tpu.vector_load_idx %arg7[%get3A_407] : memref<100000xf32, #tpu.memory_space<vmem>>[vector<16xi32>], vector<16xf32>,
    %get3A_409 = arith.constant 896 : index
    %get3A_410 = tpu.vector_load %arg8[%get3A_409] {strides = array<i32>} : memref<1024xf32, #tpu.memory_space<vmem>>, vector<16xf32>,
    %mul3A_411 = arith.mulf %gather3A_408, %get3A_410 : vector<16xf32>
    %add3A_412 = arith.addf %add3A_405, %mul3A_411 : vector<16xf32>
    %get3A_413 = arith.constant 912 : index
    %get3A_414 = tpu.vector_load %arg6[%get3A_413] {strides = array<i32>} : memref<1024xi32, #tpu.memory_space<vmem>>, vector<16xi32>,
    %gather3A_415 = tpu.vector_load_idx %arg7[%get3A_414] : memref<100000xf32, #tpu.memory_space<vmem>>[vector<16xi32>], vector<16xf32>,
    %get3A_416 = arith.constant 912 : index
    %get3A_417 = tpu.vector_load %arg8[%get3A_416] {strides = array<i32>} : memref<1024xf32, #tpu.memory_space<vmem>>, vector<16xf32>,
    %mul3A_418 = arith.mulf %gather3A_415, %get3A_417 : vector<16xf32>
    %add3A_419 = arith.addf %add3A_412, %mul3A_418 : vector<16xf32>
    %get3A_420 = arith.constant 928 : index
    %get3A_421 = tpu.vector_load %arg6[%get3A_420] {strides = array<i32>} : memref<1024xi32, #tpu.memory_space<vmem>>, vector<16xi32>,
    %gather3A_422 = tpu.vector_load_idx %arg7[%get3A_421] : memref<100000xf32, #tpu.memory_space<vmem>>[vector<16xi32>], vector<16xf32>,
    %get3A_423 = arith.constant 928 : index
    %get3A_424 = tpu.vector_load %arg8[%get3A_423] {strides = array<i32>} : memref<1024xf32, #tpu.memory_space<vmem>>, vector<16xf32>,
    %mul3A_425 = arith.mulf %gather3A_422, %get3A_424 : vector<16xf32>
    %add3A_426 = arith.addf %add3A_419, %mul3A_425 : vector<16xf32>
    %get3A_427 = arith.constant 944 : index
    %get3A_428 = tpu.vector_load %arg6[%get3A_427] {strides = array<i32>} : memref<1024xi32, #tpu.memory_space<vmem>>, vector<16xi32>,
    %gather3A_429 = tpu.vector_load_idx %arg7[%get3A_428] : memref<100000xf32, #tpu.memory_space<vmem>>[vector<16xi32>], vector<16xf32>,
    %get3A_430 = arith.constant 944 : index
    %get3A_431 = tpu.vector_load %arg8[%get3A_430] {strides = array<i32>} : memref<1024xf32, #tpu.memory_space<vmem>>, vector<16xf32>,
    %mul3A_432 = arith.mulf %gather3A_429, %get3A_431 : vector<16xf32>
    %add3A_433 = arith.addf %add3A_426, %mul3A_432 : vector<16xf32>
    %get3A_434 = arith.constant 960 : index
    %get3A_435 = tpu.vector_load %arg6[%get3A_434] {strides = array<i32>} : memref<1024xi32, #tpu.memory_space<vmem>>, vector<16xi32>,
    %gather3A_436 = tpu.vector_load_idx %arg7[%get3A_435] : memref<100000xf32, #tpu.memory_space<vmem>>[vector<16xi32>], vector<16xf32>,
    %get3A_437 = arith.constant 960 : index
    %get3A_438 = tpu.vector_load %arg8[%get3A_437] {strides = array<i32>} : memref<1024xf32, #tpu.memory_space<vmem>>, vector<16xf32>,
    %mul3A_439 = arith.mulf %gather3A_436, %get3A_438 : vector<16xf32>
    %add3A_440 = arith.addf %add3A_433, %mul3A_439 : vector<16xf32>
    %get3A_441 = arith.constant 976 : index
    %get3A_442 = tpu.vector_load %arg6[%get3A_441] {strides = array<i32>} : memref<1024xi32, #tpu.memory_space<vmem>>, vector<16xi32>,
    %gather3A_443 = tpu.vector_load_idx %arg7[%get3A_442] : memref<100000xf32, #tpu.memory_space<vmem>>[vector<16xi32>], vector<16xf32>,
    %get3A_444 = arith.constant 976 : index
    %get3A_445 = tpu.vector_load %arg8[%get3A_444] {strides = array<i32>} : memref<1024xf32, #tpu.memory_space<vmem>>, vector<16xf32>,
    %mul3A_446 = arith.mulf %gather3A_443, %get3A_445 : vector<16xf32>
    %add3A_447 = arith.addf %add3A_440, %mul3A_446 : vector<16xf32>
    %get3A_448 = arith.constant 992 : index
    %get3A_449 = tpu.vector_load %arg6[%get3A_448] {strides = array<i32>} : memref<1024xi32, #tpu.memory_space<vmem>>, vector<16xi32>,
    %gather3A_450 = tpu.vector_load_idx %arg7[%get3A_449] : memref<100000xf32, #tpu.memory_space<vmem>>[vector<16xi32>], vector<16xf32>,
    %get3A_451 = arith.constant 992 : index
    %get3A_452 = tpu.vector_load %arg8[%get3A_451] {strides = array<i32>} : memref<1024xf32, #tpu.memory_space<vmem>>, vector<16xf32>,
    %mul3A_453 = arith.mulf %gather3A_450, %get3A_452 : vector<16xf32>
    %add3A_454 = arith.addf %add3A_447, %mul3A_453 : vector<16xf32>
    %get3A_455 = arith.constant 1008 : index
    %get3A_456 = tpu.vector_load %arg6[%get3A_455] {strides = array<i32>} : memref<1024xi32, #tpu.memory_space<vmem>>, vector<16xi32>,
    %gather3A_457 = tpu.vector_load_idx %arg7[%get3A_456] : memref<100000xf32, #tpu.memory_space<vmem>>[vector<16xi32>], vector<16xf32>,
    %get3A_458 = arith.constant 1008 : index
    %get3A_459 = tpu.vector_load %arg8[%get3A_458] {strides = array<i32>} : memref<1024xf32, #tpu.memory_space<vmem>>, vector<16xf32>,
    %mul3A_460 = arith.mulf %gather3A_457, %get3A_459 : vector<16xf32>
    %add3A_461 = arith.addf %add3A_454, %mul3A_460 : vector<16xf32>
    %mul3A_462 = arith.constant 2 : i32
    %mul3A_463 = arith.muli %add3A, %mul3A_462 : i32
    %add3A_464 = arith.constant 1 : i32
    %add3A_465 = arith.addi %mul3A_463, %add3A_464 : i32
    %dma_start3A_466 = arith.constant 0 : i32
    %dma_start3A_467 = tpu.memref_slice %arg4[%add3A_465, %dma_start3A_466] : memref<64x100000xf32, #tpu.memory_space<hbm>> -> memref<1x100000xf32, #tpu.memory_space<hbm>>
    %dma_start3A_468 = tpu.memref_squeeze %dma_start3A_467 : memref<1x100000xf32, #tpu.memory_space<hbm>> -> memref<100000xf32, #tpu.memory_space<hbm>>
    %dma_start3A_469 = arith.constant 0 : i32
    %dma_start3A_470 = tpu.memref_slice %arg4[%add3A_465, %dma_start3A_469] : memref<64x100000xf32, #tpu.memory_space<hbm>> -> memref<1x100000xf32, #tpu.memory_space<hbm>>
    %dma_start3A_471 = tpu.memref_squeeze %dma_start3A_470 : memref<1x100000xf32, #tpu.memory_space<hbm>> -> memref<100000xf32, #tpu.memory_space<hbm>>
    tpu.enqueue_dma source(%dma_start3A_471 : memref<100000xf32, #tpu.memory_space<hbm>>) target(%arg7 : memref<100000xf32, #tpu.memory_space<vmem>>) target_semaphore(%arg10 : memref<!tpu.dma_semaphore, #tpu.memory_space<semaphore_mem>>)
    "tpu.region"() ({
      %run_scoped3A = tpu.sem_alloc : memref<!tpu.dma_semaphore, #tpu.memory_space<semaphore_mem>>
      %dma_start3A_927 = arith.constant 0 : i32
      %dma_start3A_928 = tpu.memref_slice %arg2[%add3A_465, %dma_start3A_927] : memref<64x1024xf32, #tpu.memory_space<hbm>> -> memref<1x1024xf32, #tpu.memory_space<hbm>>
      %dma_start3A_929 = tpu.memref_squeeze %dma_start3A_928 : memref<1x1024xf32, #tpu.memory_space<hbm>> -> memref<1024xf32, #tpu.memory_space<hbm>>
      %dma_start3A_930 = arith.constant 0 : i32
      %dma_start3A_931 = tpu.memref_slice %arg2[%add3A_465, %dma_start3A_930] : memref<64x1024xf32, #tpu.memory_space<hbm>> -> memref<1x1024xf32, #tpu.memory_space<hbm>>
      %dma_start3A_932 = tpu.memref_squeeze %dma_start3A_931 : memref<1x1024xf32, #tpu.memory_space<hbm>> -> memref<1024xf32, #tpu.memory_space<hbm>>
      tpu.enqueue_dma source(%dma_start3A_932 : memref<1024xf32, #tpu.memory_space<hbm>>) target(%arg8 : memref<1024xf32, #tpu.memory_space<vmem>>) target_semaphore(%run_scoped3A : memref<!tpu.dma_semaphore, #tpu.memory_space<semaphore_mem>>)
      %dma_wait3A_933 = arith.constant 0 : i32
      %dma_wait3A_934 = tpu.memref_slice %arg2[%add3A_465, %dma_wait3A_933] : memref<64x1024xf32, #tpu.memory_space<hbm>> -> memref<1x1024xf32, #tpu.memory_space<hbm>>
      %dma_wait3A_935 = tpu.memref_squeeze %dma_wait3A_934 : memref<1x1024xf32, #tpu.memory_space<hbm>> -> memref<1024xf32, #tpu.memory_space<hbm>>
      %dma_wait3A_936 = arith.constant 0 : i32
      %dma_wait3A_937 = tpu.memref_slice %arg2[%add3A_465, %dma_wait3A_936] : memref<64x1024xf32, #tpu.memory_space<hbm>> -> memref<1x1024xf32, #tpu.memory_space<hbm>>
      %dma_wait3A_938 = tpu.memref_squeeze %dma_wait3A_937 : memref<1x1024xf32, #tpu.memory_space<hbm>> -> memref<1024xf32, #tpu.memory_space<hbm>>
      tpu.wait_dma2 semaphore(%run_scoped3A : memref<!tpu.dma_semaphore, #tpu.memory_space<semaphore_mem>>) src(%dma_wait3A_938 : memref<1024xf32, #tpu.memory_space<hbm>>) dst(%arg8 : memref<1024xf32, #tpu.memory_space<vmem>>)
      tpu.yield
    }) : () -> ()
    %dma_wait3A_472 = arith.constant 0 : i32
    %dma_wait3A_473 = tpu.memref_slice %arg4[%add3A_465, %dma_wait3A_472] : memref<64x100000xf32, #tpu.memory_space<hbm>> -> memref<1x100000xf32, #tpu.memory_space<hbm>>
    %dma_wait3A_474 = tpu.memref_squeeze %dma_wait3A_473 : memref<1x100000xf32, #tpu.memory_space<hbm>> -> memref<100000xf32, #tpu.memory_space<hbm>>
    %dma_wait3A_475 = arith.constant 0 : i32
    %dma_wait3A_476 = tpu.memref_slice %arg4[%add3A_465, %dma_wait3A_475] : memref<64x100000xf32, #tpu.memory_space<hbm>> -> memref<1x100000xf32, #tpu.memory_space<hbm>>
    %dma_wait3A_477 = tpu.memref_squeeze %dma_wait3A_476 : memref<1x100000xf32, #tpu.memory_space<hbm>> -> memref<100000xf32, #tpu.memory_space<hbm>>
    tpu.wait_dma2 semaphore(%arg10 : memref<!tpu.dma_semaphore, #tpu.memory_space<semaphore_mem>>) src(%dma_wait3A_477 : memref<100000xf32, #tpu.memory_space<hbm>>) dst(%arg7 : memref<100000xf32, #tpu.memory_space<vmem>>)
    %get3A_478 = arith.constant 0 : index
    %get3A_479 = tpu.vector_load %arg6[%get3A_478] {strides = array<i32>} : memref<1024xi32, #tpu.memory_space<vmem>>, vector<16xi32>,
    %gather3A_480 = tpu.vector_load_idx %arg7[%get3A_479] : memref<100000xf32, #tpu.memory_space<vmem>>[vector<16xi32>], vector<16xf32>,
    %get3A_481 = arith.constant 0 : index
    %get3A_482 = tpu.vector_load %arg8[%get3A_481] {strides = array<i32>} : memref<1024xf32, #tpu.memory_space<vmem>>, vector<16xf32>,
    %mul3A_483 = arith.mulf %gather3A_480, %get3A_482 : vector<16xf32>
    %add3A_484 = arith.addf %add3A_461, %mul3A_483 : vector<16xf32>
    %get3A_485 = arith.constant 16 : index
    %get3A_486 = tpu.vector_load %arg6[%get3A_485] {strides = array<i32>} : memref<1024xi32, #tpu.memory_space<vmem>>, vector<16xi32>,
    %gather3A_487 = tpu.vector_load_idx %arg7[%get3A_486] : memref<100000xf32, #tpu.memory_space<vmem>>[vector<16xi32>], vector<16xf32>,
    %get3A_488 = arith.constant 16 : index
    %get3A_489 = tpu.vector_load %arg8[%get3A_488] {strides = array<i32>} : memref<1024xf32, #tpu.memory_space<vmem>>, vector<16xf32>,
    %mul3A_490 = arith.mulf %gather3A_487, %get3A_489 : vector<16xf32>
    %add3A_491 = arith.addf %add3A_484, %mul3A_490 : vector<16xf32>
    %get3A_492 = arith.constant 32 : index
    %get3A_493 = tpu.vector_load %arg6[%get3A_492] {strides = array<i32>} : memref<1024xi32, #tpu.memory_space<vmem>>, vector<16xi32>,
    %gather3A_494 = tpu.vector_load_idx %arg7[%get3A_493] : memref<100000xf32, #tpu.memory_space<vmem>>[vector<16xi32>], vector<16xf32>,
    %get3A_495 = arith.constant 32 : index
    %get3A_496 = tpu.vector_load %arg8[%get3A_495] {strides = array<i32>} : memref<1024xf32, #tpu.memory_space<vmem>>, vector<16xf32>,
    %mul3A_497 = arith.mulf %gather3A_494, %get3A_496 : vector<16xf32>
    %add3A_498 = arith.addf %add3A_491, %mul3A_497 : vector<16xf32>
    %get3A_499 = arith.constant 48 : index
    %get3A_500 = tpu.vector_load %arg6[%get3A_499] {strides = array<i32>} : memref<1024xi32, #tpu.memory_space<vmem>>, vector<16xi32>,
    %gather3A_501 = tpu.vector_load_idx %arg7[%get3A_500] : memref<100000xf32, #tpu.memory_space<vmem>>[vector<16xi32>], vector<16xf32>,
    %get3A_502 = arith.constant 48 : index
    %get3A_503 = tpu.vector_load %arg8[%get3A_502] {strides = array<i32>} : memref<1024xf32, #tpu.memory_space<vmem>>, vector<16xf32>,
    %mul3A_504 = arith.mulf %gather3A_501, %get3A_503 : vector<16xf32>
    %add3A_505 = arith.addf %add3A_498, %mul3A_504 : vector<16xf32>
    %get3A_506 = arith.constant 64 : index
    %get3A_507 = tpu.vector_load %arg6[%get3A_506] {strides = array<i32>} : memref<1024xi32, #tpu.memory_space<vmem>>, vector<16xi32>,
    %gather3A_508 = tpu.vector_load_idx %arg7[%get3A_507] : memref<100000xf32, #tpu.memory_space<vmem>>[vector<16xi32>], vector<16xf32>,
    %get3A_509 = arith.constant 64 : index
    %get3A_510 = tpu.vector_load %arg8[%get3A_509] {strides = array<i32>} : memref<1024xf32, #tpu.memory_space<vmem>>, vector<16xf32>,
    %mul3A_511 = arith.mulf %gather3A_508, %get3A_510 : vector<16xf32>
    %add3A_512 = arith.addf %add3A_505, %mul3A_511 : vector<16xf32>
    %get3A_513 = arith.constant 80 : index
    %get3A_514 = tpu.vector_load %arg6[%get3A_513] {strides = array<i32>} : memref<1024xi32, #tpu.memory_space<vmem>>, vector<16xi32>,
    %gather3A_515 = tpu.vector_load_idx %arg7[%get3A_514] : memref<100000xf32, #tpu.memory_space<vmem>>[vector<16xi32>], vector<16xf32>,
    %get3A_516 = arith.constant 80 : index
    %get3A_517 = tpu.vector_load %arg8[%get3A_516] {strides = array<i32>} : memref<1024xf32, #tpu.memory_space<vmem>>, vector<16xf32>,
    %mul3A_518 = arith.mulf %gather3A_515, %get3A_517 : vector<16xf32>
    %add3A_519 = arith.addf %add3A_512, %mul3A_518 : vector<16xf32>
    %get3A_520 = arith.constant 96 : index
    %get3A_521 = tpu.vector_load %arg6[%get3A_520] {strides = array<i32>} : memref<1024xi32, #tpu.memory_space<vmem>>, vector<16xi32>,
    %gather3A_522 = tpu.vector_load_idx %arg7[%get3A_521] : memref<100000xf32, #tpu.memory_space<vmem>>[vector<16xi32>], vector<16xf32>,
    %get3A_523 = arith.constant 96 : index
    %get3A_524 = tpu.vector_load %arg8[%get3A_523] {strides = array<i32>} : memref<1024xf32, #tpu.memory_space<vmem>>, vector<16xf32>,
    %mul3A_525 = arith.mulf %gather3A_522, %get3A_524 : vector<16xf32>
    %add3A_526 = arith.addf %add3A_519, %mul3A_525 : vector<16xf32>
    %get3A_527 = arith.constant 112 : index
    %get3A_528 = tpu.vector_load %arg6[%get3A_527] {strides = array<i32>} : memref<1024xi32, #tpu.memory_space<vmem>>, vector<16xi32>,
    %gather3A_529 = tpu.vector_load_idx %arg7[%get3A_528] : memref<100000xf32, #tpu.memory_space<vmem>>[vector<16xi32>], vector<16xf32>,
    %get3A_530 = arith.constant 112 : index
    %get3A_531 = tpu.vector_load %arg8[%get3A_530] {strides = array<i32>} : memref<1024xf32, #tpu.memory_space<vmem>>, vector<16xf32>,
    %mul3A_532 = arith.mulf %gather3A_529, %get3A_531 : vector<16xf32>
    %add3A_533 = arith.addf %add3A_526, %mul3A_532 : vector<16xf32>
    %get3A_534 = arith.constant 128 : index
    %get3A_535 = tpu.vector_load %arg6[%get3A_534] {strides = array<i32>} : memref<1024xi32, #tpu.memory_space<vmem>>, vector<16xi32>,
    %gather3A_536 = tpu.vector_load_idx %arg7[%get3A_535] : memref<100000xf32, #tpu.memory_space<vmem>>[vector<16xi32>], vector<16xf32>,
    %get3A_537 = arith.constant 128 : index
    %get3A_538 = tpu.vector_load %arg8[%get3A_537] {strides = array<i32>} : memref<1024xf32, #tpu.memory_space<vmem>>, vector<16xf32>,
    %mul3A_539 = arith.mulf %gather3A_536, %get3A_538 : vector<16xf32>
    %add3A_540 = arith.addf %add3A_533, %mul3A_539 : vector<16xf32>
    %get3A_541 = arith.constant 144 : index
    %get3A_542 = tpu.vector_load %arg6[%get3A_541] {strides = array<i32>} : memref<1024xi32, #tpu.memory_space<vmem>>, vector<16xi32>,
    %gather3A_543 = tpu.vector_load_idx %arg7[%get3A_542] : memref<100000xf32, #tpu.memory_space<vmem>>[vector<16xi32>], vector<16xf32>,
    %get3A_544 = arith.constant 144 : index
    %get3A_545 = tpu.vector_load %arg8[%get3A_544] {strides = array<i32>} : memref<1024xf32, #tpu.memory_space<vmem>>, vector<16xf32>,
    %mul3A_546 = arith.mulf %gather3A_543, %get3A_545 : vector<16xf32>
    %add3A_547 = arith.addf %add3A_540, %mul3A_546 : vector<16xf32>
    %get3A_548 = arith.constant 160 : index
    %get3A_549 = tpu.vector_load %arg6[%get3A_548] {strides = array<i32>} : memref<1024xi32, #tpu.memory_space<vmem>>, vector<16xi32>,
    %gather3A_550 = tpu.vector_load_idx %arg7[%get3A_549] : memref<100000xf32, #tpu.memory_space<vmem>>[vector<16xi32>], vector<16xf32>,
    %get3A_551 = arith.constant 160 : index
    %get3A_552 = tpu.vector_load %arg8[%get3A_551] {strides = array<i32>} : memref<1024xf32, #tpu.memory_space<vmem>>, vector<16xf32>,
    %mul3A_553 = arith.mulf %gather3A_550, %get3A_552 : vector<16xf32>
    %add3A_554 = arith.addf %add3A_547, %mul3A_553 : vector<16xf32>
    %get3A_555 = arith.constant 176 : index
    %get3A_556 = tpu.vector_load %arg6[%get3A_555] {strides = array<i32>} : memref<1024xi32, #tpu.memory_space<vmem>>, vector<16xi32>,
    %gather3A_557 = tpu.vector_load_idx %arg7[%get3A_556] : memref<100000xf32, #tpu.memory_space<vmem>>[vector<16xi32>], vector<16xf32>,
    %get3A_558 = arith.constant 176 : index
    %get3A_559 = tpu.vector_load %arg8[%get3A_558] {strides = array<i32>} : memref<1024xf32, #tpu.memory_space<vmem>>, vector<16xf32>,
    %mul3A_560 = arith.mulf %gather3A_557, %get3A_559 : vector<16xf32>
    %add3A_561 = arith.addf %add3A_554, %mul3A_560 : vector<16xf32>
    %get3A_562 = arith.constant 192 : index
    %get3A_563 = tpu.vector_load %arg6[%get3A_562] {strides = array<i32>} : memref<1024xi32, #tpu.memory_space<vmem>>, vector<16xi32>,
    %gather3A_564 = tpu.vector_load_idx %arg7[%get3A_563] : memref<100000xf32, #tpu.memory_space<vmem>>[vector<16xi32>], vector<16xf32>,
    %get3A_565 = arith.constant 192 : index
    %get3A_566 = tpu.vector_load %arg8[%get3A_565] {strides = array<i32>} : memref<1024xf32, #tpu.memory_space<vmem>>, vector<16xf32>,
    %mul3A_567 = arith.mulf %gather3A_564, %get3A_566 : vector<16xf32>
    %add3A_568 = arith.addf %add3A_561, %mul3A_567 : vector<16xf32>
    %get3A_569 = arith.constant 208 : index
    %get3A_570 = tpu.vector_load %arg6[%get3A_569] {strides = array<i32>} : memref<1024xi32, #tpu.memory_space<vmem>>, vector<16xi32>,
    %gather3A_571 = tpu.vector_load_idx %arg7[%get3A_570] : memref<100000xf32, #tpu.memory_space<vmem>>[vector<16xi32>], vector<16xf32>,
    %get3A_572 = arith.constant 208 : index
    %get3A_573 = tpu.vector_load %arg8[%get3A_572] {strides = array<i32>} : memref<1024xf32, #tpu.memory_space<vmem>>, vector<16xf32>,
    %mul3A_574 = arith.mulf %gather3A_571, %get3A_573 : vector<16xf32>
    %add3A_575 = arith.addf %add3A_568, %mul3A_574 : vector<16xf32>
    %get3A_576 = arith.constant 224 : index
    %get3A_577 = tpu.vector_load %arg6[%get3A_576] {strides = array<i32>} : memref<1024xi32, #tpu.memory_space<vmem>>, vector<16xi32>,
    %gather3A_578 = tpu.vector_load_idx %arg7[%get3A_577] : memref<100000xf32, #tpu.memory_space<vmem>>[vector<16xi32>], vector<16xf32>,
    %get3A_579 = arith.constant 224 : index
    %get3A_580 = tpu.vector_load %arg8[%get3A_579] {strides = array<i32>} : memref<1024xf32, #tpu.memory_space<vmem>>, vector<16xf32>,
    %mul3A_581 = arith.mulf %gather3A_578, %get3A_580 : vector<16xf32>
    %add3A_582 = arith.addf %add3A_575, %mul3A_581 : vector<16xf32>
    %get3A_583 = arith.constant 240 : index
    %get3A_584 = tpu.vector_load %arg6[%get3A_583] {strides = array<i32>} : memref<1024xi32, #tpu.memory_space<vmem>>, vector<16xi32>,
    %gather3A_585 = tpu.vector_load_idx %arg7[%get3A_584] : memref<100000xf32, #tpu.memory_space<vmem>>[vector<16xi32>], vector<16xf32>,
    %get3A_586 = arith.constant 240 : index
    %get3A_587 = tpu.vector_load %arg8[%get3A_586] {strides = array<i32>} : memref<1024xf32, #tpu.memory_space<vmem>>, vector<16xf32>,
    %mul3A_588 = arith.mulf %gather3A_585, %get3A_587 : vector<16xf32>
    %add3A_589 = arith.addf %add3A_582, %mul3A_588 : vector<16xf32>
    %get3A_590 = arith.constant 256 : index
    %get3A_591 = tpu.vector_load %arg6[%get3A_590] {strides = array<i32>} : memref<1024xi32, #tpu.memory_space<vmem>>, vector<16xi32>,
    %gather3A_592 = tpu.vector_load_idx %arg7[%get3A_591] : memref<100000xf32, #tpu.memory_space<vmem>>[vector<16xi32>], vector<16xf32>,
    %get3A_593 = arith.constant 256 : index
    %get3A_594 = tpu.vector_load %arg8[%get3A_593] {strides = array<i32>} : memref<1024xf32, #tpu.memory_space<vmem>>, vector<16xf32>,
    %mul3A_595 = arith.mulf %gather3A_592, %get3A_594 : vector<16xf32>
    %add3A_596 = arith.addf %add3A_589, %mul3A_595 : vector<16xf32>
    %get3A_597 = arith.constant 272 : index
    %get3A_598 = tpu.vector_load %arg6[%get3A_597] {strides = array<i32>} : memref<1024xi32, #tpu.memory_space<vmem>>, vector<16xi32>,
    %gather3A_599 = tpu.vector_load_idx %arg7[%get3A_598] : memref<100000xf32, #tpu.memory_space<vmem>>[vector<16xi32>], vector<16xf32>,
    %get3A_600 = arith.constant 272 : index
    %get3A_601 = tpu.vector_load %arg8[%get3A_600] {strides = array<i32>} : memref<1024xf32, #tpu.memory_space<vmem>>, vector<16xf32>,
    %mul3A_602 = arith.mulf %gather3A_599, %get3A_601 : vector<16xf32>
    %add3A_603 = arith.addf %add3A_596, %mul3A_602 : vector<16xf32>
    %get3A_604 = arith.constant 288 : index
    %get3A_605 = tpu.vector_load %arg6[%get3A_604] {strides = array<i32>} : memref<1024xi32, #tpu.memory_space<vmem>>, vector<16xi32>,
    %gather3A_606 = tpu.vector_load_idx %arg7[%get3A_605] : memref<100000xf32, #tpu.memory_space<vmem>>[vector<16xi32>], vector<16xf32>,
    %get3A_607 = arith.constant 288 : index
    %get3A_608 = tpu.vector_load %arg8[%get3A_607] {strides = array<i32>} : memref<1024xf32, #tpu.memory_space<vmem>>, vector<16xf32>,
    %mul3A_609 = arith.mulf %gather3A_606, %get3A_608 : vector<16xf32>
    %add3A_610 = arith.addf %add3A_603, %mul3A_609 : vector<16xf32>
    %get3A_611 = arith.constant 304 : index
    %get3A_612 = tpu.vector_load %arg6[%get3A_611] {strides = array<i32>} : memref<1024xi32, #tpu.memory_space<vmem>>, vector<16xi32>,
    %gather3A_613 = tpu.vector_load_idx %arg7[%get3A_612] : memref<100000xf32, #tpu.memory_space<vmem>>[vector<16xi32>], vector<16xf32>,
    %get3A_614 = arith.constant 304 : index
    %get3A_615 = tpu.vector_load %arg8[%get3A_614] {strides = array<i32>} : memref<1024xf32, #tpu.memory_space<vmem>>, vector<16xf32>,
    %mul3A_616 = arith.mulf %gather3A_613, %get3A_615 : vector<16xf32>
    %add3A_617 = arith.addf %add3A_610, %mul3A_616 : vector<16xf32>
    %get3A_618 = arith.constant 320 : index
    %get3A_619 = tpu.vector_load %arg6[%get3A_618] {strides = array<i32>} : memref<1024xi32, #tpu.memory_space<vmem>>, vector<16xi32>,
    %gather3A_620 = tpu.vector_load_idx %arg7[%get3A_619] : memref<100000xf32, #tpu.memory_space<vmem>>[vector<16xi32>], vector<16xf32>,
    %get3A_621 = arith.constant 320 : index
    %get3A_622 = tpu.vector_load %arg8[%get3A_621] {strides = array<i32>} : memref<1024xf32, #tpu.memory_space<vmem>>, vector<16xf32>,
    %mul3A_623 = arith.mulf %gather3A_620, %get3A_622 : vector<16xf32>
    %add3A_624 = arith.addf %add3A_617, %mul3A_623 : vector<16xf32>
    %get3A_625 = arith.constant 336 : index
    %get3A_626 = tpu.vector_load %arg6[%get3A_625] {strides = array<i32>} : memref<1024xi32, #tpu.memory_space<vmem>>, vector<16xi32>,
    %gather3A_627 = tpu.vector_load_idx %arg7[%get3A_626] : memref<100000xf32, #tpu.memory_space<vmem>>[vector<16xi32>], vector<16xf32>,
    %get3A_628 = arith.constant 336 : index
    %get3A_629 = tpu.vector_load %arg8[%get3A_628] {strides = array<i32>} : memref<1024xf32, #tpu.memory_space<vmem>>, vector<16xf32>,
    %mul3A_630 = arith.mulf %gather3A_627, %get3A_629 : vector<16xf32>
    %add3A_631 = arith.addf %add3A_624, %mul3A_630 : vector<16xf32>
    %get3A_632 = arith.constant 352 : index
    %get3A_633 = tpu.vector_load %arg6[%get3A_632] {strides = array<i32>} : memref<1024xi32, #tpu.memory_space<vmem>>, vector<16xi32>,
    %gather3A_634 = tpu.vector_load_idx %arg7[%get3A_633] : memref<100000xf32, #tpu.memory_space<vmem>>[vector<16xi32>], vector<16xf32>,
    %get3A_635 = arith.constant 352 : index
    %get3A_636 = tpu.vector_load %arg8[%get3A_635] {strides = array<i32>} : memref<1024xf32, #tpu.memory_space<vmem>>, vector<16xf32>,
    %mul3A_637 = arith.mulf %gather3A_634, %get3A_636 : vector<16xf32>
    %add3A_638 = arith.addf %add3A_631, %mul3A_637 : vector<16xf32>
    %get3A_639 = arith.constant 368 : index
    %get3A_640 = tpu.vector_load %arg6[%get3A_639] {strides = array<i32>} : memref<1024xi32, #tpu.memory_space<vmem>>, vector<16xi32>,
    %gather3A_641 = tpu.vector_load_idx %arg7[%get3A_640] : memref<100000xf32, #tpu.memory_space<vmem>>[vector<16xi32>], vector<16xf32>,
    %get3A_642 = arith.constant 368 : index
    %get3A_643 = tpu.vector_load %arg8[%get3A_642] {strides = array<i32>} : memref<1024xf32, #tpu.memory_space<vmem>>, vector<16xf32>,
    %mul3A_644 = arith.mulf %gather3A_641, %get3A_643 : vector<16xf32>
    %add3A_645 = arith.addf %add3A_638, %mul3A_644 : vector<16xf32>
    %get3A_646 = arith.constant 384 : index
    %get3A_647 = tpu.vector_load %arg6[%get3A_646] {strides = array<i32>} : memref<1024xi32, #tpu.memory_space<vmem>>, vector<16xi32>,
    %gather3A_648 = tpu.vector_load_idx %arg7[%get3A_647] : memref<100000xf32, #tpu.memory_space<vmem>>[vector<16xi32>], vector<16xf32>,
    %get3A_649 = arith.constant 384 : index
    %get3A_650 = tpu.vector_load %arg8[%get3A_649] {strides = array<i32>} : memref<1024xf32, #tpu.memory_space<vmem>>, vector<16xf32>,
    %mul3A_651 = arith.mulf %gather3A_648, %get3A_650 : vector<16xf32>
    %add3A_652 = arith.addf %add3A_645, %mul3A_651 : vector<16xf32>
    %get3A_653 = arith.constant 400 : index
    %get3A_654 = tpu.vector_load %arg6[%get3A_653] {strides = array<i32>} : memref<1024xi32, #tpu.memory_space<vmem>>, vector<16xi32>,
    %gather3A_655 = tpu.vector_load_idx %arg7[%get3A_654] : memref<100000xf32, #tpu.memory_space<vmem>>[vector<16xi32>], vector<16xf32>,
    %get3A_656 = arith.constant 400 : index
    %get3A_657 = tpu.vector_load %arg8[%get3A_656] {strides = array<i32>} : memref<1024xf32, #tpu.memory_space<vmem>>, vector<16xf32>,
    %mul3A_658 = arith.mulf %gather3A_655, %get3A_657 : vector<16xf32>
    %add3A_659 = arith.addf %add3A_652, %mul3A_658 : vector<16xf32>
    %get3A_660 = arith.constant 416 : index
    %get3A_661 = tpu.vector_load %arg6[%get3A_660] {strides = array<i32>} : memref<1024xi32, #tpu.memory_space<vmem>>, vector<16xi32>,
    %gather3A_662 = tpu.vector_load_idx %arg7[%get3A_661] : memref<100000xf32, #tpu.memory_space<vmem>>[vector<16xi32>], vector<16xf32>,
    %get3A_663 = arith.constant 416 : index
    %get3A_664 = tpu.vector_load %arg8[%get3A_663] {strides = array<i32>} : memref<1024xf32, #tpu.memory_space<vmem>>, vector<16xf32>,
    %mul3A_665 = arith.mulf %gather3A_662, %get3A_664 : vector<16xf32>
    %add3A_666 = arith.addf %add3A_659, %mul3A_665 : vector<16xf32>
    %get3A_667 = arith.constant 432 : index
    %get3A_668 = tpu.vector_load %arg6[%get3A_667] {strides = array<i32>} : memref<1024xi32, #tpu.memory_space<vmem>>, vector<16xi32>,
    %gather3A_669 = tpu.vector_load_idx %arg7[%get3A_668] : memref<100000xf32, #tpu.memory_space<vmem>>[vector<16xi32>], vector<16xf32>,
    %get3A_670 = arith.constant 432 : index
    %get3A_671 = tpu.vector_load %arg8[%get3A_670] {strides = array<i32>} : memref<1024xf32, #tpu.memory_space<vmem>>, vector<16xf32>,
    %mul3A_672 = arith.mulf %gather3A_669, %get3A_671 : vector<16xf32>
    %add3A_673 = arith.addf %add3A_666, %mul3A_672 : vector<16xf32>
    %get3A_674 = arith.constant 448 : index
    %get3A_675 = tpu.vector_load %arg6[%get3A_674] {strides = array<i32>} : memref<1024xi32, #tpu.memory_space<vmem>>, vector<16xi32>,
    %gather3A_676 = tpu.vector_load_idx %arg7[%get3A_675] : memref<100000xf32, #tpu.memory_space<vmem>>[vector<16xi32>], vector<16xf32>,
    %get3A_677 = arith.constant 448 : index
    %get3A_678 = tpu.vector_load %arg8[%get3A_677] {strides = array<i32>} : memref<1024xf32, #tpu.memory_space<vmem>>, vector<16xf32>,
    %mul3A_679 = arith.mulf %gather3A_676, %get3A_678 : vector<16xf32>
    %add3A_680 = arith.addf %add3A_673, %mul3A_679 : vector<16xf32>
    %get3A_681 = arith.constant 464 : index
    %get3A_682 = tpu.vector_load %arg6[%get3A_681] {strides = array<i32>} : memref<1024xi32, #tpu.memory_space<vmem>>, vector<16xi32>,
    %gather3A_683 = tpu.vector_load_idx %arg7[%get3A_682] : memref<100000xf32, #tpu.memory_space<vmem>>[vector<16xi32>], vector<16xf32>,
    %get3A_684 = arith.constant 464 : index
    %get3A_685 = tpu.vector_load %arg8[%get3A_684] {strides = array<i32>} : memref<1024xf32, #tpu.memory_space<vmem>>, vector<16xf32>,
    %mul3A_686 = arith.mulf %gather3A_683, %get3A_685 : vector<16xf32>
    %add3A_687 = arith.addf %add3A_680, %mul3A_686 : vector<16xf32>
    %get3A_688 = arith.constant 480 : index
    %get3A_689 = tpu.vector_load %arg6[%get3A_688] {strides = array<i32>} : memref<1024xi32, #tpu.memory_space<vmem>>, vector<16xi32>,
    %gather3A_690 = tpu.vector_load_idx %arg7[%get3A_689] : memref<100000xf32, #tpu.memory_space<vmem>>[vector<16xi32>], vector<16xf32>,
    %get3A_691 = arith.constant 480 : index
    %get3A_692 = tpu.vector_load %arg8[%get3A_691] {strides = array<i32>} : memref<1024xf32, #tpu.memory_space<vmem>>, vector<16xf32>,
    %mul3A_693 = arith.mulf %gather3A_690, %get3A_692 : vector<16xf32>
    %add3A_694 = arith.addf %add3A_687, %mul3A_693 : vector<16xf32>
    %get3A_695 = arith.constant 496 : index
    %get3A_696 = tpu.vector_load %arg6[%get3A_695] {strides = array<i32>} : memref<1024xi32, #tpu.memory_space<vmem>>, vector<16xi32>,
    %gather3A_697 = tpu.vector_load_idx %arg7[%get3A_696] : memref<100000xf32, #tpu.memory_space<vmem>>[vector<16xi32>], vector<16xf32>,
    %get3A_698 = arith.constant 496 : index
    %get3A_699 = tpu.vector_load %arg8[%get3A_698] {strides = array<i32>} : memref<1024xf32, #tpu.memory_space<vmem>>, vector<16xf32>,
    %mul3A_700 = arith.mulf %gather3A_697, %get3A_699 : vector<16xf32>
    %add3A_701 = arith.addf %add3A_694, %mul3A_700 : vector<16xf32>
    %get3A_702 = arith.constant 512 : index
    %get3A_703 = tpu.vector_load %arg6[%get3A_702] {strides = array<i32>} : memref<1024xi32, #tpu.memory_space<vmem>>, vector<16xi32>,
    %gather3A_704 = tpu.vector_load_idx %arg7[%get3A_703] : memref<100000xf32, #tpu.memory_space<vmem>>[vector<16xi32>], vector<16xf32>,
    %get3A_705 = arith.constant 512 : index
    %get3A_706 = tpu.vector_load %arg8[%get3A_705] {strides = array<i32>} : memref<1024xf32, #tpu.memory_space<vmem>>, vector<16xf32>,
    %mul3A_707 = arith.mulf %gather3A_704, %get3A_706 : vector<16xf32>
    %add3A_708 = arith.addf %add3A_701, %mul3A_707 : vector<16xf32>
    %get3A_709 = arith.constant 528 : index
    %get3A_710 = tpu.vector_load %arg6[%get3A_709] {strides = array<i32>} : memref<1024xi32, #tpu.memory_space<vmem>>, vector<16xi32>,
    %gather3A_711 = tpu.vector_load_idx %arg7[%get3A_710] : memref<100000xf32, #tpu.memory_space<vmem>>[vector<16xi32>], vector<16xf32>,
    %get3A_712 = arith.constant 528 : index
    %get3A_713 = tpu.vector_load %arg8[%get3A_712] {strides = array<i32>} : memref<1024xf32, #tpu.memory_space<vmem>>, vector<16xf32>,
    %mul3A_714 = arith.mulf %gather3A_711, %get3A_713 : vector<16xf32>
    %add3A_715 = arith.addf %add3A_708, %mul3A_714 : vector<16xf32>
    %get3A_716 = arith.constant 544 : index
    %get3A_717 = tpu.vector_load %arg6[%get3A_716] {strides = array<i32>} : memref<1024xi32, #tpu.memory_space<vmem>>, vector<16xi32>,
    %gather3A_718 = tpu.vector_load_idx %arg7[%get3A_717] : memref<100000xf32, #tpu.memory_space<vmem>>[vector<16xi32>], vector<16xf32>,
    %get3A_719 = arith.constant 544 : index
    %get3A_720 = tpu.vector_load %arg8[%get3A_719] {strides = array<i32>} : memref<1024xf32, #tpu.memory_space<vmem>>, vector<16xf32>,
    %mul3A_721 = arith.mulf %gather3A_718, %get3A_720 : vector<16xf32>
    %add3A_722 = arith.addf %add3A_715, %mul3A_721 : vector<16xf32>
    %get3A_723 = arith.constant 560 : index
    %get3A_724 = tpu.vector_load %arg6[%get3A_723] {strides = array<i32>} : memref<1024xi32, #tpu.memory_space<vmem>>, vector<16xi32>,
    %gather3A_725 = tpu.vector_load_idx %arg7[%get3A_724] : memref<100000xf32, #tpu.memory_space<vmem>>[vector<16xi32>], vector<16xf32>,
    %get3A_726 = arith.constant 560 : index
    %get3A_727 = tpu.vector_load %arg8[%get3A_726] {strides = array<i32>} : memref<1024xf32, #tpu.memory_space<vmem>>, vector<16xf32>,
    %mul3A_728 = arith.mulf %gather3A_725, %get3A_727 : vector<16xf32>
    %add3A_729 = arith.addf %add3A_722, %mul3A_728 : vector<16xf32>
    %get3A_730 = arith.constant 576 : index
    %get3A_731 = tpu.vector_load %arg6[%get3A_730] {strides = array<i32>} : memref<1024xi32, #tpu.memory_space<vmem>>, vector<16xi32>,
    %gather3A_732 = tpu.vector_load_idx %arg7[%get3A_731] : memref<100000xf32, #tpu.memory_space<vmem>>[vector<16xi32>], vector<16xf32>,
    %get3A_733 = arith.constant 576 : index
    %get3A_734 = tpu.vector_load %arg8[%get3A_733] {strides = array<i32>} : memref<1024xf32, #tpu.memory_space<vmem>>, vector<16xf32>,
    %mul3A_735 = arith.mulf %gather3A_732, %get3A_734 : vector<16xf32>
    %add3A_736 = arith.addf %add3A_729, %mul3A_735 : vector<16xf32>
    %get3A_737 = arith.constant 592 : index
    %get3A_738 = tpu.vector_load %arg6[%get3A_737] {strides = array<i32>} : memref<1024xi32, #tpu.memory_space<vmem>>, vector<16xi32>,
    %gather3A_739 = tpu.vector_load_idx %arg7[%get3A_738] : memref<100000xf32, #tpu.memory_space<vmem>>[vector<16xi32>], vector<16xf32>,
    %get3A_740 = arith.constant 592 : index
    %get3A_741 = tpu.vector_load %arg8[%get3A_740] {strides = array<i32>} : memref<1024xf32, #tpu.memory_space<vmem>>, vector<16xf32>,
    %mul3A_742 = arith.mulf %gather3A_739, %get3A_741 : vector<16xf32>
    %add3A_743 = arith.addf %add3A_736, %mul3A_742 : vector<16xf32>
    %get3A_744 = arith.constant 608 : index
    %get3A_745 = tpu.vector_load %arg6[%get3A_744] {strides = array<i32>} : memref<1024xi32, #tpu.memory_space<vmem>>, vector<16xi32>,
    %gather3A_746 = tpu.vector_load_idx %arg7[%get3A_745] : memref<100000xf32, #tpu.memory_space<vmem>>[vector<16xi32>], vector<16xf32>,
    %get3A_747 = arith.constant 608 : index
    %get3A_748 = tpu.vector_load %arg8[%get3A_747] {strides = array<i32>} : memref<1024xf32, #tpu.memory_space<vmem>>, vector<16xf32>,
    %mul3A_749 = arith.mulf %gather3A_746, %get3A_748 : vector<16xf32>
    %add3A_750 = arith.addf %add3A_743, %mul3A_749 : vector<16xf32>
    %get3A_751 = arith.constant 624 : index
    %get3A_752 = tpu.vector_load %arg6[%get3A_751] {strides = array<i32>} : memref<1024xi32, #tpu.memory_space<vmem>>, vector<16xi32>,
    %gather3A_753 = tpu.vector_load_idx %arg7[%get3A_752] : memref<100000xf32, #tpu.memory_space<vmem>>[vector<16xi32>], vector<16xf32>,
    %get3A_754 = arith.constant 624 : index
    %get3A_755 = tpu.vector_load %arg8[%get3A_754] {strides = array<i32>} : memref<1024xf32, #tpu.memory_space<vmem>>, vector<16xf32>,
    %mul3A_756 = arith.mulf %gather3A_753, %get3A_755 : vector<16xf32>
    %add3A_757 = arith.addf %add3A_750, %mul3A_756 : vector<16xf32>
    %get3A_758 = arith.constant 640 : index
    %get3A_759 = tpu.vector_load %arg6[%get3A_758] {strides = array<i32>} : memref<1024xi32, #tpu.memory_space<vmem>>, vector<16xi32>,
    %gather3A_760 = tpu.vector_load_idx %arg7[%get3A_759] : memref<100000xf32, #tpu.memory_space<vmem>>[vector<16xi32>], vector<16xf32>,
    %get3A_761 = arith.constant 640 : index
    %get3A_762 = tpu.vector_load %arg8[%get3A_761] {strides = array<i32>} : memref<1024xf32, #tpu.memory_space<vmem>>, vector<16xf32>,
    %mul3A_763 = arith.mulf %gather3A_760, %get3A_762 : vector<16xf32>
    %add3A_764 = arith.addf %add3A_757, %mul3A_763 : vector<16xf32>
    %get3A_765 = arith.constant 656 : index
    %get3A_766 = tpu.vector_load %arg6[%get3A_765] {strides = array<i32>} : memref<1024xi32, #tpu.memory_space<vmem>>, vector<16xi32>,
    %gather3A_767 = tpu.vector_load_idx %arg7[%get3A_766] : memref<100000xf32, #tpu.memory_space<vmem>>[vector<16xi32>], vector<16xf32>,
    %get3A_768 = arith.constant 656 : index
    %get3A_769 = tpu.vector_load %arg8[%get3A_768] {strides = array<i32>} : memref<1024xf32, #tpu.memory_space<vmem>>, vector<16xf32>,
    %mul3A_770 = arith.mulf %gather3A_767, %get3A_769 : vector<16xf32>
    %add3A_771 = arith.addf %add3A_764, %mul3A_770 : vector<16xf32>
    %get3A_772 = arith.constant 672 : index
    %get3A_773 = tpu.vector_load %arg6[%get3A_772] {strides = array<i32>} : memref<1024xi32, #tpu.memory_space<vmem>>, vector<16xi32>,
    %gather3A_774 = tpu.vector_load_idx %arg7[%get3A_773] : memref<100000xf32, #tpu.memory_space<vmem>>[vector<16xi32>], vector<16xf32>,
    %get3A_775 = arith.constant 672 : index
    %get3A_776 = tpu.vector_load %arg8[%get3A_775] {strides = array<i32>} : memref<1024xf32, #tpu.memory_space<vmem>>, vector<16xf32>,
    %mul3A_777 = arith.mulf %gather3A_774, %get3A_776 : vector<16xf32>
    %add3A_778 = arith.addf %add3A_771, %mul3A_777 : vector<16xf32>
    %get3A_779 = arith.constant 688 : index
    %get3A_780 = tpu.vector_load %arg6[%get3A_779] {strides = array<i32>} : memref<1024xi32, #tpu.memory_space<vmem>>, vector<16xi32>,
    %gather3A_781 = tpu.vector_load_idx %arg7[%get3A_780] : memref<100000xf32, #tpu.memory_space<vmem>>[vector<16xi32>], vector<16xf32>,
    %get3A_782 = arith.constant 688 : index
    %get3A_783 = tpu.vector_load %arg8[%get3A_782] {strides = array<i32>} : memref<1024xf32, #tpu.memory_space<vmem>>, vector<16xf32>,
    %mul3A_784 = arith.mulf %gather3A_781, %get3A_783 : vector<16xf32>
    %add3A_785 = arith.addf %add3A_778, %mul3A_784 : vector<16xf32>
    %get3A_786 = arith.constant 704 : index
    %get3A_787 = tpu.vector_load %arg6[%get3A_786] {strides = array<i32>} : memref<1024xi32, #tpu.memory_space<vmem>>, vector<16xi32>,
    %gather3A_788 = tpu.vector_load_idx %arg7[%get3A_787] : memref<100000xf32, #tpu.memory_space<vmem>>[vector<16xi32>], vector<16xf32>,
    %get3A_789 = arith.constant 704 : index
    %get3A_790 = tpu.vector_load %arg8[%get3A_789] {strides = array<i32>} : memref<1024xf32, #tpu.memory_space<vmem>>, vector<16xf32>,
    %mul3A_791 = arith.mulf %gather3A_788, %get3A_790 : vector<16xf32>
    %add3A_792 = arith.addf %add3A_785, %mul3A_791 : vector<16xf32>
    %get3A_793 = arith.constant 720 : index
    %get3A_794 = tpu.vector_load %arg6[%get3A_793] {strides = array<i32>} : memref<1024xi32, #tpu.memory_space<vmem>>, vector<16xi32>,
    %gather3A_795 = tpu.vector_load_idx %arg7[%get3A_794] : memref<100000xf32, #tpu.memory_space<vmem>>[vector<16xi32>], vector<16xf32>,
    %get3A_796 = arith.constant 720 : index
    %get3A_797 = tpu.vector_load %arg8[%get3A_796] {strides = array<i32>} : memref<1024xf32, #tpu.memory_space<vmem>>, vector<16xf32>,
    %mul3A_798 = arith.mulf %gather3A_795, %get3A_797 : vector<16xf32>
    %add3A_799 = arith.addf %add3A_792, %mul3A_798 : vector<16xf32>
    %get3A_800 = arith.constant 736 : index
    %get3A_801 = tpu.vector_load %arg6[%get3A_800] {strides = array<i32>} : memref<1024xi32, #tpu.memory_space<vmem>>, vector<16xi32>,
    %gather3A_802 = tpu.vector_load_idx %arg7[%get3A_801] : memref<100000xf32, #tpu.memory_space<vmem>>[vector<16xi32>], vector<16xf32>,
    %get3A_803 = arith.constant 736 : index
    %get3A_804 = tpu.vector_load %arg8[%get3A_803] {strides = array<i32>} : memref<1024xf32, #tpu.memory_space<vmem>>, vector<16xf32>,
    %mul3A_805 = arith.mulf %gather3A_802, %get3A_804 : vector<16xf32>
    %add3A_806 = arith.addf %add3A_799, %mul3A_805 : vector<16xf32>
    %get3A_807 = arith.constant 752 : index
    %get3A_808 = tpu.vector_load %arg6[%get3A_807] {strides = array<i32>} : memref<1024xi32, #tpu.memory_space<vmem>>, vector<16xi32>,
    %gather3A_809 = tpu.vector_load_idx %arg7[%get3A_808] : memref<100000xf32, #tpu.memory_space<vmem>>[vector<16xi32>], vector<16xf32>,
    %get3A_810 = arith.constant 752 : index
    %get3A_811 = tpu.vector_load %arg8[%get3A_810] {strides = array<i32>} : memref<1024xf32, #tpu.memory_space<vmem>>, vector<16xf32>,
    %mul3A_812 = arith.mulf %gather3A_809, %get3A_811 : vector<16xf32>
    %add3A_813 = arith.addf %add3A_806, %mul3A_812 : vector<16xf32>
    %get3A_814 = arith.constant 768 : index
    %get3A_815 = tpu.vector_load %arg6[%get3A_814] {strides = array<i32>} : memref<1024xi32, #tpu.memory_space<vmem>>, vector<16xi32>,
    %gather3A_816 = tpu.vector_load_idx %arg7[%get3A_815] : memref<100000xf32, #tpu.memory_space<vmem>>[vector<16xi32>], vector<16xf32>,
    %get3A_817 = arith.constant 768 : index
    %get3A_818 = tpu.vector_load %arg8[%get3A_817] {strides = array<i32>} : memref<1024xf32, #tpu.memory_space<vmem>>, vector<16xf32>,
    %mul3A_819 = arith.mulf %gather3A_816, %get3A_818 : vector<16xf32>
    %add3A_820 = arith.addf %add3A_813, %mul3A_819 : vector<16xf32>
    %get3A_821 = arith.constant 784 : index
    %get3A_822 = tpu.vector_load %arg6[%get3A_821] {strides = array<i32>} : memref<1024xi32, #tpu.memory_space<vmem>>, vector<16xi32>,
    %gather3A_823 = tpu.vector_load_idx %arg7[%get3A_822] : memref<100000xf32, #tpu.memory_space<vmem>>[vector<16xi32>], vector<16xf32>,
    %get3A_824 = arith.constant 784 : index
    %get3A_825 = tpu.vector_load %arg8[%get3A_824] {strides = array<i32>} : memref<1024xf32, #tpu.memory_space<vmem>>, vector<16xf32>,
    %mul3A_826 = arith.mulf %gather3A_823, %get3A_825 : vector<16xf32>
    %add3A_827 = arith.addf %add3A_820, %mul3A_826 : vector<16xf32>
    %get3A_828 = arith.constant 800 : index
    %get3A_829 = tpu.vector_load %arg6[%get3A_828] {strides = array<i32>} : memref<1024xi32, #tpu.memory_space<vmem>>, vector<16xi32>,
    %gather3A_830 = tpu.vector_load_idx %arg7[%get3A_829] : memref<100000xf32, #tpu.memory_space<vmem>>[vector<16xi32>], vector<16xf32>,
    %get3A_831 = arith.constant 800 : index
    %get3A_832 = tpu.vector_load %arg8[%get3A_831] {strides = array<i32>} : memref<1024xf32, #tpu.memory_space<vmem>>, vector<16xf32>,
    %mul3A_833 = arith.mulf %gather3A_830, %get3A_832 : vector<16xf32>
    %add3A_834 = arith.addf %add3A_827, %mul3A_833 : vector<16xf32>
    %get3A_835 = arith.constant 816 : index
    %get3A_836 = tpu.vector_load %arg6[%get3A_835] {strides = array<i32>} : memref<1024xi32, #tpu.memory_space<vmem>>, vector<16xi32>,
    %gather3A_837 = tpu.vector_load_idx %arg7[%get3A_836] : memref<100000xf32, #tpu.memory_space<vmem>>[vector<16xi32>], vector<16xf32>,
    %get3A_838 = arith.constant 816 : index
    %get3A_839 = tpu.vector_load %arg8[%get3A_838] {strides = array<i32>} : memref<1024xf32, #tpu.memory_space<vmem>>, vector<16xf32>,
    %mul3A_840 = arith.mulf %gather3A_837, %get3A_839 : vector<16xf32>
    %add3A_841 = arith.addf %add3A_834, %mul3A_840 : vector<16xf32>
    %get3A_842 = arith.constant 832 : index
    %get3A_843 = tpu.vector_load %arg6[%get3A_842] {strides = array<i32>} : memref<1024xi32, #tpu.memory_space<vmem>>, vector<16xi32>,
    %gather3A_844 = tpu.vector_load_idx %arg7[%get3A_843] : memref<100000xf32, #tpu.memory_space<vmem>>[vector<16xi32>], vector<16xf32>,
    %get3A_845 = arith.constant 832 : index
    %get3A_846 = tpu.vector_load %arg8[%get3A_845] {strides = array<i32>} : memref<1024xf32, #tpu.memory_space<vmem>>, vector<16xf32>,
    %mul3A_847 = arith.mulf %gather3A_844, %get3A_846 : vector<16xf32>
    %add3A_848 = arith.addf %add3A_841, %mul3A_847 : vector<16xf32>
    %get3A_849 = arith.constant 848 : index
    %get3A_850 = tpu.vector_load %arg6[%get3A_849] {strides = array<i32>} : memref<1024xi32, #tpu.memory_space<vmem>>, vector<16xi32>,
    %gather3A_851 = tpu.vector_load_idx %arg7[%get3A_850] : memref<100000xf32, #tpu.memory_space<vmem>>[vector<16xi32>], vector<16xf32>,
    %get3A_852 = arith.constant 848 : index
    %get3A_853 = tpu.vector_load %arg8[%get3A_852] {strides = array<i32>} : memref<1024xf32, #tpu.memory_space<vmem>>, vector<16xf32>,
    %mul3A_854 = arith.mulf %gather3A_851, %get3A_853 : vector<16xf32>
    %add3A_855 = arith.addf %add3A_848, %mul3A_854 : vector<16xf32>
    %get3A_856 = arith.constant 864 : index
    %get3A_857 = tpu.vector_load %arg6[%get3A_856] {strides = array<i32>} : memref<1024xi32, #tpu.memory_space<vmem>>, vector<16xi32>,
    %gather3A_858 = tpu.vector_load_idx %arg7[%get3A_857] : memref<100000xf32, #tpu.memory_space<vmem>>[vector<16xi32>], vector<16xf32>,
    %get3A_859 = arith.constant 864 : index
    %get3A_860 = tpu.vector_load %arg8[%get3A_859] {strides = array<i32>} : memref<1024xf32, #tpu.memory_space<vmem>>, vector<16xf32>,
    %mul3A_861 = arith.mulf %gather3A_858, %get3A_860 : vector<16xf32>
    %add3A_862 = arith.addf %add3A_855, %mul3A_861 : vector<16xf32>
    %get3A_863 = arith.constant 880 : index
    %get3A_864 = tpu.vector_load %arg6[%get3A_863] {strides = array<i32>} : memref<1024xi32, #tpu.memory_space<vmem>>, vector<16xi32>,
    %gather3A_865 = tpu.vector_load_idx %arg7[%get3A_864] : memref<100000xf32, #tpu.memory_space<vmem>>[vector<16xi32>], vector<16xf32>,
    %get3A_866 = arith.constant 880 : index
    %get3A_867 = tpu.vector_load %arg8[%get3A_866] {strides = array<i32>} : memref<1024xf32, #tpu.memory_space<vmem>>, vector<16xf32>,
    %mul3A_868 = arith.mulf %gather3A_865, %get3A_867 : vector<16xf32>
    %add3A_869 = arith.addf %add3A_862, %mul3A_868 : vector<16xf32>
    %get3A_870 = arith.constant 896 : index
    %get3A_871 = tpu.vector_load %arg6[%get3A_870] {strides = array<i32>} : memref<1024xi32, #tpu.memory_space<vmem>>, vector<16xi32>,
    %gather3A_872 = tpu.vector_load_idx %arg7[%get3A_871] : memref<100000xf32, #tpu.memory_space<vmem>>[vector<16xi32>], vector<16xf32>,
    %get3A_873 = arith.constant 896 : index
    %get3A_874 = tpu.vector_load %arg8[%get3A_873] {strides = array<i32>} : memref<1024xf32, #tpu.memory_space<vmem>>, vector<16xf32>,
    %mul3A_875 = arith.mulf %gather3A_872, %get3A_874 : vector<16xf32>
    %add3A_876 = arith.addf %add3A_869, %mul3A_875 : vector<16xf32>
    %get3A_877 = arith.constant 912 : index
    %get3A_878 = tpu.vector_load %arg6[%get3A_877] {strides = array<i32>} : memref<1024xi32, #tpu.memory_space<vmem>>, vector<16xi32>,
    %gather3A_879 = tpu.vector_load_idx %arg7[%get3A_878] : memref<100000xf32, #tpu.memory_space<vmem>>[vector<16xi32>], vector<16xf32>,
    %get3A_880 = arith.constant 912 : index
    %get3A_881 = tpu.vector_load %arg8[%get3A_880] {strides = array<i32>} : memref<1024xf32, #tpu.memory_space<vmem>>, vector<16xf32>,
    %mul3A_882 = arith.mulf %gather3A_879, %get3A_881 : vector<16xf32>
    %add3A_883 = arith.addf %add3A_876, %mul3A_882 : vector<16xf32>
    %get3A_884 = arith.constant 928 : index
    %get3A_885 = tpu.vector_load %arg6[%get3A_884] {strides = array<i32>} : memref<1024xi32, #tpu.memory_space<vmem>>, vector<16xi32>,
    %gather3A_886 = tpu.vector_load_idx %arg7[%get3A_885] : memref<100000xf32, #tpu.memory_space<vmem>>[vector<16xi32>], vector<16xf32>,
    %get3A_887 = arith.constant 928 : index
    %get3A_888 = tpu.vector_load %arg8[%get3A_887] {strides = array<i32>} : memref<1024xf32, #tpu.memory_space<vmem>>, vector<16xf32>,
    %mul3A_889 = arith.mulf %gather3A_886, %get3A_888 : vector<16xf32>
    %add3A_890 = arith.addf %add3A_883, %mul3A_889 : vector<16xf32>
    %get3A_891 = arith.constant 944 : index
    %get3A_892 = tpu.vector_load %arg6[%get3A_891] {strides = array<i32>} : memref<1024xi32, #tpu.memory_space<vmem>>, vector<16xi32>,
    %gather3A_893 = tpu.vector_load_idx %arg7[%get3A_892] : memref<100000xf32, #tpu.memory_space<vmem>>[vector<16xi32>], vector<16xf32>,
    %get3A_894 = arith.constant 944 : index
    %get3A_895 = tpu.vector_load %arg8[%get3A_894] {strides = array<i32>} : memref<1024xf32, #tpu.memory_space<vmem>>, vector<16xf32>,
    %mul3A_896 = arith.mulf %gather3A_893, %get3A_895 : vector<16xf32>
    %add3A_897 = arith.addf %add3A_890, %mul3A_896 : vector<16xf32>
    %get3A_898 = arith.constant 960 : index
    %get3A_899 = tpu.vector_load %arg6[%get3A_898] {strides = array<i32>} : memref<1024xi32, #tpu.memory_space<vmem>>, vector<16xi32>,
    %gather3A_900 = tpu.vector_load_idx %arg7[%get3A_899] : memref<100000xf32, #tpu.memory_space<vmem>>[vector<16xi32>], vector<16xf32>,
    %get3A_901 = arith.constant 960 : index
    %get3A_902 = tpu.vector_load %arg8[%get3A_901] {strides = array<i32>} : memref<1024xf32, #tpu.memory_space<vmem>>, vector<16xf32>,
    %mul3A_903 = arith.mulf %gather3A_900, %get3A_902 : vector<16xf32>
    %add3A_904 = arith.addf %add3A_897, %mul3A_903 : vector<16xf32>
    %get3A_905 = arith.constant 976 : index
    %get3A_906 = tpu.vector_load %arg6[%get3A_905] {strides = array<i32>} : memref<1024xi32, #tpu.memory_space<vmem>>, vector<16xi32>,
    %gather3A_907 = tpu.vector_load_idx %arg7[%get3A_906] : memref<100000xf32, #tpu.memory_space<vmem>>[vector<16xi32>], vector<16xf32>,
    %get3A_908 = arith.constant 976 : index
    %get3A_909 = tpu.vector_load %arg8[%get3A_908] {strides = array<i32>} : memref<1024xf32, #tpu.memory_space<vmem>>, vector<16xf32>,
    %mul3A_910 = arith.mulf %gather3A_907, %get3A_909 : vector<16xf32>
    %add3A_911 = arith.addf %add3A_904, %mul3A_910 : vector<16xf32>
    %get3A_912 = arith.constant 992 : index
    %get3A_913 = tpu.vector_load %arg6[%get3A_912] {strides = array<i32>} : memref<1024xi32, #tpu.memory_space<vmem>>, vector<16xi32>,
    %gather3A_914 = tpu.vector_load_idx %arg7[%get3A_913] : memref<100000xf32, #tpu.memory_space<vmem>>[vector<16xi32>], vector<16xf32>,
    %get3A_915 = arith.constant 992 : index
    %get3A_916 = tpu.vector_load %arg8[%get3A_915] {strides = array<i32>} : memref<1024xf32, #tpu.memory_space<vmem>>, vector<16xf32>,
    %mul3A_917 = arith.mulf %gather3A_914, %get3A_916 : vector<16xf32>
    %add3A_918 = arith.addf %add3A_911, %mul3A_917 : vector<16xf32>
    %get3A_919 = arith.constant 1008 : index
    %get3A_920 = tpu.vector_load %arg6[%get3A_919] {strides = array<i32>} : memref<1024xi32, #tpu.memory_space<vmem>>, vector<16xi32>,
    %gather3A_921 = tpu.vector_load_idx %arg7[%get3A_920] : memref<100000xf32, #tpu.memory_space<vmem>>[vector<16xi32>], vector<16xf32>,
    %get3A_922 = arith.constant 1008 : index
    %get3A_923 = tpu.vector_load %arg8[%get3A_922] {strides = array<i32>} : memref<1024xf32, #tpu.memory_space<vmem>>, vector<16xf32>,
    %mul3A_924 = arith.mulf %gather3A_921, %get3A_923 : vector<16xf32>
    %add3A_925 = arith.addf %add3A_918, %mul3A_924 : vector<16xf32>
    %swap3A = arith.constant 0 : index
    %swap3A_926 = tpu.vector_load %arg9[%swap3A] {strides = array<i32>} : memref<16xf32, #tpu.memory_space<vmem>>, vector<16xf32>,
    tpu.vector_store %arg9[%swap3A], %add3A_925 {strides = array<i32>} : memref<16xf32, #tpu.memory_space<vmem>>, vector<16xf32>,
    "tpu.region"() ({
      %run_scoped3A = tpu.sem_alloc : memref<!tpu.dma_semaphore, #tpu.memory_space<semaphore_mem>>
      %dma_start3A_927 = arith.constant 0 : i32
      %dma_start3A_928 = tpu.memref_slice %arg5[%add3A, %dma_start3A_927] : memref<32x16xf32, #tpu.memory_space<hbm>> -> memref<1x16xf32, #tpu.memory_space<hbm>>
      %dma_start3A_929 = tpu.memref_squeeze %dma_start3A_928 : memref<1x16xf32, #tpu.memory_space<hbm>> -> memref<16xf32, #tpu.memory_space<hbm>>
      %dma_start3A_930 = arith.constant 0 : i32
      %dma_start3A_931 = tpu.memref_slice %arg5[%add3A, %dma_start3A_930] : memref<32x16xf32, #tpu.memory_space<hbm>> -> memref<1x16xf32, #tpu.memory_space<hbm>>
      %dma_start3A_932 = tpu.memref_squeeze %dma_start3A_931 : memref<1x16xf32, #tpu.memory_space<hbm>> -> memref<16xf32, #tpu.memory_space<hbm>>
      tpu.enqueue_dma source(%arg9 : memref<16xf32, #tpu.memory_space<vmem>>) target(%dma_start3A_932 : memref<16xf32, #tpu.memory_space<hbm>>) target_semaphore(%run_scoped3A : memref<!tpu.dma_semaphore, #tpu.memory_space<semaphore_mem>>)
      %dma_wait3A_933 = arith.constant 0 : i32
      %dma_wait3A_934 = tpu.memref_slice %arg5[%add3A, %dma_wait3A_933] : memref<32x16xf32, #tpu.memory_space<hbm>> -> memref<1x16xf32, #tpu.memory_space<hbm>>
      %dma_wait3A_935 = tpu.memref_squeeze %dma_wait3A_934 : memref<1x16xf32, #tpu.memory_space<hbm>> -> memref<16xf32, #tpu.memory_space<hbm>>
      %dma_wait3A_936 = arith.constant 0 : i32
      %dma_wait3A_937 = tpu.memref_slice %arg5[%add3A, %dma_wait3A_936] : memref<32x16xf32, #tpu.memory_space<hbm>> -> memref<1x16xf32, #tpu.memory_space<hbm>>
      %dma_wait3A_938 = tpu.memref_squeeze %dma_wait3A_937 : memref<1x16xf32, #tpu.memory_space<hbm>> -> memref<16xf32, #tpu.memory_space<hbm>>
      tpu.wait_dma2 semaphore(%run_scoped3A : memref<!tpu.dma_semaphore, #tpu.memory_space<semaphore_mem>>) src(%arg9 : memref<16xf32, #tpu.memory_space<vmem>>) dst(%dma_wait3A_938 : memref<16xf32, #tpu.memory_space<hbm>>)
      tpu.yield
    }) : () -> ()
    return
  }
}

module attributes {stable_mosaic.version = 14 : i64} {
  func.func @_lse_body(%arg0: i32, %arg1: memref<1024x72xf32, #tpu.memory_space<vmem>>, %arg2: memref<64x4096xf32, #tpu.memory_space<vmem>>, %arg3: memref<1x1xf32, #tpu.memory_space<smem>>, %arg4: memref<1024x1xf32, #tpu.memory_space<vmem>>, %arg5: memref<72x4096xbf16, #tpu.memory_space<vmem>>) attributes {dimension_semantics = [#tpu.dimension_semantics<arbitrary>], iteration_bounds = array<i64: 25>, scalar_prefetch = 0 : i64, scratch_operands = 2 : i64, tpu.core_type = #tpu.core_type<tc>, window_params = [{pipeline_mode = #tpu.pipeline_mode<synchronous>, transform_indices = @transform_0, window_bounds = array<i64: 1024, 72>}, {transform_indices = @transform_1, window_bounds = array<i64: 64, 4096>}, {transform_indices = @transform_2, window_bounds = array<i64: 1, 1>}]} {
    %get3A = arith.constant 0 : index
    %get3A_0 = arith.constant 0 : index
    %get3A_1 = vector.load %arg1[%get3A, %get3A_0] : memref<1024x72xf32, #tpu.memory_space<vmem>>, vector<1024x72xf32>
    %eq3A = arith.constant 0 : i32
    %eq3A_2 = arith.cmpi eq, %arg0, %eq3A : i32
    %convert_element_type3A = arith.extui %eq3A_2 : i1 to i32
    %cond3A = arith.constant 0 : i32
    %cond3A_3 = arith.cmpi ne, %convert_element_type3A, %cond3A : i32
    scf.if %cond3A_3 {
      %broadcast_in_dim3A = arith.constant 0.000000e+00 : f32
      %broadcast_in_dim3A_24 = vector.broadcast %broadcast_in_dim3A : f32 to vector<1024x1xf32>
      %swap3A_25 = arith.constant 0 : index
      %swap3A_26 = arith.constant 0 : index
      %swap3A_27 = vector.load %arg4[%swap3A_25, %swap3A_26] : memref<1024x1xf32, #tpu.memory_space<vmem>>, vector<1024x1xf32>
      tpu.vector_store %arg4[%swap3A_25, %swap3A_26], %broadcast_in_dim3A_24 {strides = array<i32>} : memref<1024x1xf32, #tpu.memory_space<vmem>>, vector<1024x1xf32>,
      %iota3A = tpu.iota {dimensions = array<i32: 0>} : vector<8x4096xi32>
      %eq3A_28 = arith.constant 0 : i32
      %eq3A_29 = vector.broadcast %eq3A_28 : i32 to vector<8x4096xi32>
      %eq3A_30 = arith.cmpi eq, %iota3A, %eq3A_29 : vector<8x4096xi32>
      %jit3A = arith.constant 1.000000e+00 : f32
      %jit3A_31 = arith.constant 0.000000e+00 : f32
      %broadcast_in_dim3A_32 = vector.broadcast %jit3A : f32 to vector<8x4096xf32>
      %broadcast_in_dim3A_33 = vector.broadcast %jit3A_31 : f32 to vector<8x4096xf32>
      %select_n3A = arith.select %eq3A_30, %broadcast_in_dim3A_32, %broadcast_in_dim3A_33 : vector<8x4096xi1>, vector<8x4096xf32>
      %convert_element_type3A_34 = arith.truncf %select_n3A : vector<8x4096xf32> to vector<8x4096xbf16>
      %swap3A_35 = arith.constant 64 : index
      %swap3A_36 = arith.constant 0 : index
      %swap3A_37 = vector.load %arg5[%swap3A_35, %swap3A_36] : memref<72x4096xbf16, #tpu.memory_space<vmem>>, vector<8x4096xbf16>
      tpu.vector_store %arg5[%swap3A_35, %swap3A_36], %convert_element_type3A_34 {strides = array<i32>} : memref<72x4096xbf16, #tpu.memory_space<vmem>>, vector<8x4096xbf16>,
    } else {
    }
    %get3A_4 = arith.constant 0 : index
    %get3A_5 = arith.constant 0 : index
    %get3A_6 = vector.load %arg2[%get3A_4, %get3A_5] : memref<64x4096xf32, #tpu.memory_space<vmem>>, vector<64x4096xf32>
    %convert_element_type3A_7 = arith.truncf %get3A_6 : vector<64x4096xf32> to vector<64x4096xbf16>
    %swap3A = arith.constant 0 : index
    %swap3A_8 = arith.constant 0 : index
    %swap3A_9 = vector.load %arg5[%swap3A, %swap3A_8] : memref<72x4096xbf16, #tpu.memory_space<vmem>>, vector<64x4096xbf16>
    tpu.vector_store %arg5[%swap3A, %swap3A_8], %convert_element_type3A_7 {strides = array<i32>} : memref<72x4096xbf16, #tpu.memory_space<vmem>>, vector<64x4096xbf16>,
    %convert_element_type3A_10 = arith.truncf %get3A_1 : vector<1024x72xf32> to vector<1024x72xbf16>
    %get3A_11 = arith.constant 0 : index
    %get3A_12 = arith.constant 0 : index
    %get3A_13 = vector.load %arg5[%get3A_11, %get3A_12] : memref<72x4096xbf16, #tpu.memory_space<vmem>>, vector<72x4096xbf16>
    %dot_general3A = arith.constant dense<0.000000e+00> : vector<1024x4096xf32>
    %dot_general3A_14 = tpu.matmul %convert_element_type3A_10, %get3A_13, %dot_general3A {dimension_numbers = #tpu.dot_dimension_numbers<[1], [0], [0], [1], [0, 0, 1, 1], [], []>, transpose_lhs_hint = false} : vector<1024x72xbf16>, vector<72x4096xbf16>, vector<1024x4096xf32> -> vector<1024x4096xf32>
    %lt3A = arith.constant 24 : i32
    %lt3A_15 = arith.cmpi slt, %arg0, %lt3A : i32
    %convert_element_type3A_16 = arith.extui %lt3A_15 : i1 to i32
    %cond3A_17 = arith.constant 0 : i32
    %cond3A_18 = arith.cmpi ne, %convert_element_type3A_16, %cond3A_17 : i32
    scf.if %cond3A_18 {
      %get3A_24 = arith.constant 0 : index
      %get3A_25 = arith.constant 0 : index
      %get3A_26 = vector.load %arg4[%get3A_24, %get3A_25] : memref<1024x1xf32, #tpu.memory_space<vmem>>, vector<1024x1xf32>
      %exp23A = math.exp2 %dot_general3A_14 : vector<1024x4096xf32>
      %reduce_sum3A = arith.constant dense<0.000000e+00> : vector<1024xf32>
      %reduce_sum3A_27 = vector.multi_reduction <add>, %exp23A, %reduce_sum3A [1] : vector<1024x4096xf32> to vector<1024xf32>
      %broadcast_in_dim3A = vector.shape_cast %reduce_sum3A_27 : vector<1024xf32> to vector<1024x1xf32>
      %add3A = arith.addf %get3A_26, %broadcast_in_dim3A : vector<1024x1xf32>
      %swap3A_28 = arith.constant 0 : index
      %swap3A_29 = arith.constant 0 : index
      %swap3A_30 = vector.load %arg4[%swap3A_28, %swap3A_29] : memref<1024x1xf32, #tpu.memory_space<vmem>>, vector<1024x1xf32>
      tpu.vector_store %arg4[%swap3A_28, %swap3A_29], %add3A {strides = array<i32>} : memref<1024x1xf32, #tpu.memory_space<vmem>>, vector<1024x1xf32>,
    } else {
    }
    %eq3A_19 = arith.constant 24 : i32
    %eq3A_20 = arith.cmpi eq, %arg0, %eq3A_19 : i32
    %convert_element_type3A_21 = arith.extui %eq3A_20 : i1 to i32
    %cond3A_22 = arith.constant 0 : i32
    %cond3A_23 = arith.cmpi ne, %convert_element_type3A_21, %cond3A_22 : i32
    scf.if %cond3A_23 {
      %mul3A = arith.constant 4096 : i32
      %mul3A_24 = arith.muli %arg0, %mul3A : i32
      %iota3A = tpu.iota {dimensions = array<i32: 1>} : vector<1x4096xi32>
      %add3A = vector.broadcast %mul3A_24 : i32 to vector<1x4096xi32>
      %add3A_25 = arith.addi %add3A, %iota3A : vector<1x4096xi32>
      %lt3A_26 = arith.constant 100000 : i32
      %lt3A_27 = vector.broadcast %lt3A_26 : i32 to vector<1x4096xi32>
      %lt3A_28 = arith.cmpi slt, %add3A_25, %lt3A_27 : vector<1x4096xi32>
      %jit3A = arith.constant -1.000000e+30 : f32
      %broadcast_in_dim3A = vector.shape_cast %lt3A_28 : vector<1x4096xi1> to vector<1x4096xi1>
      %broadcast_in_dim3A_29 = vector.broadcast %broadcast_in_dim3A : vector<1x4096xi1> to vector<1024x4096xi1>
      %broadcast_in_dim3A_30 = vector.broadcast %jit3A : f32 to vector<1024x4096xf32>
      %select_n3A = arith.select %broadcast_in_dim3A_29, %dot_general3A_14, %broadcast_in_dim3A_30 : vector<1024x4096xi1>, vector<1024x4096xf32>
      %get3A_31 = arith.constant 0 : index
      %get3A_32 = arith.constant 0 : index
      %get3A_33 = vector.load %arg4[%get3A_31, %get3A_32] : memref<1024x1xf32, #tpu.memory_space<vmem>>, vector<1024x1xf32>
      %exp23A = math.exp2 %select_n3A : vector<1024x4096xf32>
      %reduce_sum3A = arith.constant dense<0.000000e+00> : vector<1024xf32>
      %reduce_sum3A_34 = vector.multi_reduction <add>, %exp23A, %reduce_sum3A [1] : vector<1024x4096xf32> to vector<1024xf32>
      %broadcast_in_dim3A_35 = vector.shape_cast %reduce_sum3A_34 : vector<1024xf32> to vector<1024x1xf32>
      %add3A_36 = arith.addf %get3A_33, %broadcast_in_dim3A_35 : vector<1024x1xf32>
      %slice3A = vector.extract_strided_slice %get3A_1 {offsets = [0, 64], sizes = [1024, 1], strides = [1, 1]} : vector<1024x72xf32> to vector<1024x1xf32>
      %neg3A = arith.constant 0.000000e+00 : f32
      %neg3A_37 = vector.broadcast %neg3A : f32 to vector<1024x1xf32>
      %neg3A_38 = arith.subf %neg3A_37, %slice3A : vector<1024x1xf32>
      %mul3A_39 = arith.constant 0.693147182 : f32
      %mul3A_40 = vector.broadcast %mul3A_39 : f32 to vector<1024x1xf32>
      %mul3A_41 = arith.mulf %neg3A_38, %mul3A_40 : vector<1024x1xf32>
      %log3A = math.log %add3A_36 : vector<1024x1xf32>
      %add3A_42 = arith.addf %mul3A_41, %log3A : vector<1024x1xf32>
      %reduce_sum3A_43 = vector.shape_cast %add3A_42 : vector<1024x1xf32> to vector<1x1024x1xf32>
      %reduce_sum3A_44 = arith.constant dense<0.000000e+00> : vector<1xf32>
      %reduce_sum3A_45 = vector.multi_reduction <add>, %reduce_sum3A_43, %reduce_sum3A_44 [1, 2] : vector<1x1024x1xf32> to vector<1xf32>
      %reduce_sum3A_46 = vector.shape_cast %reduce_sum3A_45 : vector<1xf32> to vector<1x1x1xf32>
      %reduce_sum3A_47 = vector.extract %reduce_sum3A_46[0, 0, 0] : f32 from vector<1x1x1xf32>
      %mul3A_48 = arith.constant 9.765625E-4 : f32
      %mul3A_49 = arith.mulf %reduce_sum3A_47, %mul3A_48 : f32
      %swap3A_50 = arith.constant 0 : index
      %swap3A_51 = arith.constant 0 : index
      %swap3A_52 = memref.load %arg3[%swap3A_50, %swap3A_51] : memref<1x1xf32, #tpu.memory_space<smem>>
      memref.store %mul3A_49, %arg3[%swap3A_50, %swap3A_51] : memref<1x1xf32, #tpu.memory_space<smem>>
    } else {
    }
    return
  }
  func.func @transform_0(%arg0: i32) -> (i32, i32) {
    %c0_i32 = arith.constant 0 : i32
    %c0_i32_0 = arith.constant 0 : i32
    %c0_i32_1 = arith.constant 0 : i32
    return %c0_i32, %c0_i32_0 : i32, i32
  }
  func.func @transform_1(%arg0: i32) -> (i32, i32) {
    %c0_i32 = arith.constant 0 : i32
    %c0_i32_0 = arith.constant 0 : i32
    return %c0_i32, %arg0 : i32, i32
  }
  func.func @transform_2(%arg0: i32) -> (i32, i32) {
    %c0_i32 = arith.constant 0 : i32
    %c0_i32_0 = arith.constant 0 : i32
    %c0_i32_1 = arith.constant 0 : i32
    return %c0_i32, %c0_i32_0 : i32, i32
  }
}

</mosaic_0001>

<sc_bundles>
// kernel: kernel.4.cloned.1.call-start
scs
__scs_entry_jumppad:
0x0: {  	(pc) =	sbr.rel $0x88, $3  }
0x1: {  	(tag) =	ssettag $0x0;
	lr =	simm.s32 $0x1  }
0x2: {  	[smem:$0x3F9E] =	sst lr;
	_ =	strace $0xD0000000  }
0x3: {  	_ = 	snop  }
0x4: {  	_ = 	snop  }
0x5: {  	_ = 	snop  }
0x6: {  	_ = 	snop  }
0x7: {  	_ = 	snop  }
__scs_overlays_trampoline_lowered:
0x8: {  	[smem:$0x3FAD] =	sst s0  }
0x9: {  	[smem:$0x3FAE] =	sst s1  }
0xa: {  	[smem:$0x3FAF] =	sst s2  }
0xb: {  	[smem:$0x3FB0] =	sst s3  }
0xc: {  	[smem:$0x3FB1] =	sst s4  }
0xd: {  	[smem:$0x3FB2] =	sst s5  }
0xe: {  	[smem:$0x3FB3] =	sst s6  }
0xf: {  	[smem:$0x3FB4] =	sst s7  }
0x10: {  	[smem:$0x3FB5] =	sst s8  }
0x11: {  	[smem:$0x3FB6] =	sst s9;
	s0 =	simm.s32 @!p0 $0x0  }
0x12: {  	s1 =	sld [smem:$0x3F9C];
	s0 =	simm.s32 @p0 $0x1  }
0x13: {  	[smem:$0x3FB7] =	sst s0;
	s0 =	simm.s32 @!p1 $0x0  }
0x14: {  	s2 =	sld [smem:$0x3F9B];
	s0 =	simm.s32 @p1 $0x1  }
0x15: {  	[smem:$0x3FB8] =	sst s0;
	s0 =	simm.s32 @!p2 $0x0  }
0x16: {  	s3 =	sld [smem:$0x3FDB];
	s0 =	simm.s32 @p2 $0x1  }
0x17: {  	s4 =	simm.s32 $0x1BF5;
	[smem:$0x3FBA] =	sst s0  }
0x18: {  	s0 =	sld [smem:$0x3F9D];
	_ =	swait.ge [sflag:s4], $0x0  }
0x19: {  	s7 =	sld [smem:$0x3F9E]  }
0x1a: {  	s8 =	sadd.s32 $0xFFFFE003, lr  }
0x1b: {  	s9 =	sadd.s32 $0xFFFFFEF7, lr;
	s5 =	simm.s32 $0xFFFFFFFF;
	p2 =	slt.u32 s8, $0xFFFFF086  }
0x1c: {  	p1 =	slt.u32 s9, $0xF7A;
	s5 =	simm.s32 @!p2 $0x0  }
0x1d: {  	s5 =	simm.s32 @p1 $0x1;
	p0 =	seq.s32 s7, s2  }
0x1e: {  	s7 =	smul.u32 @!p0 $0xF7A, s2;
	p2 =	seq.s32 @!p0 s5, $0x0  }
0x1f: {  	s9 =	smul.u32 $0xF7A, s1;
	s8 =	simm.s32 @!p0 $0x1BF5;
	p2 =	por !p2, p0  }
0x20: {  	[sflag:s8] =	ssyncset.s32 @!p0 $0xFFFFF086;
	s6 =	sadd.s32 @!p0 s3, s7;
	s7 =	simm.s32 @!p0 $0x108  }
0x21: {  	s3 =	sadd.s32 s3, s9;
	s6 =	sadd.s32 @!p0 $0x88, s6;
	s7 =	simm.s32 @p2 $0x1082  }
0x22: {  	[simem:s7], [sflag:s8] =	dma.local @!p0 [hbm:s6], $0xF7A  }
0x23: {  	s9 =	sor.u32 $0xD0000000, s2;
	s6 =	simm.s32 $0x108;
	_ =	swait.ge @!p0 [sflag:s8], $0x0  }
0x24: {  	s3 =	sadd.s32 $0x88, s3;
	s6 =	simm.s32 @!p1 $0x1082;
	[sflag:s4] =	ssyncset.s32 $0xFFFFF086  }
0x25: {  	[simem:s6], [sflag:s4] =	dma.local [hbm:s3], $0xF7A  }
0x26: {  	[smem:$0x3F9E] =	sst s1;
	(tag) =	ssettag s2;
	_ =	strace s9  }
0x27: {  	s1 =	sld [smem:$0x3FAE]  }
0x28: {  	s2 =	sld [smem:$0x3FAF]  }
0x29: {  	s4 =	sld [smem:$0x3FB1]  }
0x2a: {  	p0 =	seq.s32 s5, $0x0;
	s5 =	sld [smem:$0x3FB2]  }
0x2b: {  	s6 =	sld [smem:$0x3FB3]  }
0x2c: {  	s7 =	sld [smem:$0x3FB4]  }
0x2d: {  	s3 =	simm.s32 $0x108;
	s8 =	sld [smem:$0x3FB5]  }
0x2e: {  	s3 =	simm.s32 @!p0 $0x1082;
	s9 =	sld [smem:$0x3FB6]  }
0x2f: {  	lr =	sadd.s32 s0, s3;
	s0 =	sld [smem:$0x3FAD]  }
0x30: {  	s3 =	sld [smem:$0x3FB0]  }
0x31: {  	[smem:$0x3FB9] =	sst s10  }
0x32: {  	s10 =	sld [smem:$0x3FB7];
	_ =	sdelay $0x3  }
0x33: {  	p0 =	seq.s32 s10, $0x1;
	s10 =	sld [smem:$0x3FB9];
	_ =	sdelay $0x3  }
0x34: {  	[smem:$0x3FB9] =	sst s10  }
0x35: {  	s10 =	sld [smem:$0x3FB8];
	_ =	sdelay $0x3  }
0x36: {  	p1 =	seq.s32 s10, $0x1;
	s10 =	sld [smem:$0x3FB9];
	_ =	sdelay $0x3  }
0x37: {  	[smem:$0x3FB9] =	sst s10  }
0x38: {  	s10 =	sld [smem:$0x3FBA]  }
0x39: {  	_ = 	snop;
	(pc) =	sbr.ind lr, $3  }
0x3a: {  	_ = 	snop  }
0x3b: {  	_ = 	snop  }
0x3c: {  	p2 =	seq.s32 s10, $0x1;
	s10 =	sld [smem:$0x3FB9]  }
0x3d: {  	_ =	shalt  }
0x3e: {  	_ =	shalt  }
0x3f: {  	_ =	shalt  }
0x40: {  	_ =	shalt  }
0x41: {  	_ =	shalt  }
0x42: {  	_ =	shalt  }
0x43: {  	_ =	shalt  }
0x44: {  	_ =	shalt  }
0x45: {  	_ =	shalt  }
0x46: {  	_ =	shalt  }
0x47: {  	_ =	shalt  }
0x48: {  	_ =	shalt  }
0x49: {  	_ =	shalt  }
0x4a: {  	_ =	shalt  }
0x4b: {  	_ =	shalt  }
0x4c: {  	_ =	shalt  }
0x4d: {  	_ =	shalt  }
0x4e: {  	_ =	shalt  }
0x4f: {  	_ =	shalt  }
0x50: {  	_ =	shalt  }
0x51: {  	_ =	shalt  }
0x52: {  	_ =	shalt  }
0x53: {  	_ =	shalt  }
0x54: {  	_ =	shalt  }
0x55: {  	_ =	shalt  }
0x56: {  	_ =	shalt  }
0x57: {  	_ =	shalt  }
0x58: {  	_ =	shalt  }
0x59: {  	_ =	shalt  }
0x5a: {  	_ =	shalt  }
0x5b: {  	_ =	shalt  }
0x5c: {  	_ =	shalt  }
0x5d: {  	_ =	shalt  }
0x5e: {  	_ =	shalt  }
0x5f: {  	_ =	shalt  }
0x60: {  	_ =	shalt  }
0x61: {  	_ =	shalt  }
0x62: {  	_ =	shalt  }
0x63: {  	_ =	shalt  }
0x64: {  	_ =	shalt  }
0x65: {  	_ =	shalt  }
0x66: {  	_ =	shalt  }
0x67: {  	_ =	shalt  }
0x68: {  	_ =	shalt  }
0x69: {  	_ =	shalt  }
0x6a: {  	_ =	shalt  }
0x6b: {  	_ =	shalt  }
0x6c: {  	_ =	shalt  }
0x6d: {  	_ =	shalt  }
0x6e: {  	_ =	shalt  }
0x6f: {  	_ =	shalt  }
0x70: {  	_ =	shalt  }
0x71: {  	_ =	shalt  }
0x72: {  	_ =	shalt  }
0x73: {  	_ =	shalt  }
0x74: {  	_ =	shalt  }
0x75: {  	_ =	shalt  }
0x76: {  	_ =	shalt  }
0x77: {  	_ =	shalt  }
0x78: {  	_ =	shalt  }
0x79: {  	_ =	shalt  }
0x7a: {  	_ =	shalt  }
0x7b: {  	_ =	shalt  }
0x7c: {  	_ =	shalt  }
0x7d: {  	_ =	shalt  }
0x7e: {  	_ =	shalt  }
0x7f: {  	_ =	shalt  }
0x80: {  	_ =	shalt  }
0x81: {  	_ =	shalt  }
0x82: {  	_ =	shalt  }
0x83: {  	_ =	shalt  }
0x84: {  	_ =	shalt  }
0x85: {  	_ =	shalt  }
0x86: {  	_ =	shalt  }
0x87: {  	_ =	shalt  }
.Lfunc_end0:
.L_simem_size_0:
called_computation_lowered:
.L_overlay_start_0:
0x88: {  	s2 =	sld [smem:$0x3FD9]  }
0x89: {  	s3 =	sld [smem:$0x3FFE];
	_ =	sdelay $0x1  }
0x8a: {  	s1 =	srdreg.scid  }
0x8b: {  	s0 =	sand.u32 $0x1, s1  }
0x8c: {  	s17 =	sshll.u32 s0, $0xA;
	s2 =	sadd.s32 s3, s2  }
0x8d: {  	s2 =	sadd.s32 s2, s17  }
0x8e: {  	[smem:$0x3FC5] =	sst s2  }
0x8f: {  	_ = 	snop  }
0x90: {  	s2 =	sld [smem:$0x3FC8]  }
0x91: {  	s18 =	sld [smem:$0x3FC7];
	(tm) =	ssettm $0x1  }
0x92: {  	s4 =	sld [smem:$0x3FFB];
	_ =	sdelay $0x3  }
0x93: {  	_ =	strace s4  }
0x94: {  	s4 =	sld [smem:$0x3FFC];
	_ =	sdelay $0x3  }
0x95: {  	_ =	strace s4  }
0x96: {  	s4 =	sld [smem:$0x3FFD];
	_ =	sdelay $0x3  }
0x97: {  	_ =	strace s4  }
0x98: {  	_ =	strace $0x8FFFFFFF  }
0x99: {  	s19 =	sld [smem:$0x3FDB];
	_ =	sdelay $0x1  }
0x9a: {  	s5 =	simm.s32 $_scs_section_size  }
0x9b: {  	s6 =	simm.s32 $_size__tile_overlayer_lowered;
	s7 =	simm.s32 $_tile_overlayer_lowered  }
0x9c: {  	s22 =	simm.s32 $0x1BFF;
	s21 =	sshll.u32 s7, $0x1;
	s4 =	sadd.s32 s5, s19  }
0x9d: {  	s8 =	simm.s32 $0x0;
	s20 =	sshll.u32 s6, $0x1;
	s6 =	sadd.s32 s21, s4  }
0x9e: {  	[timem:s8], [sflag:s22] =	dma.local [hbm:s6], s20  }
0x9f: {  	_ =	swait.ge [sflag:s22], s20  }
0xa0: {  	s5 =	ssub.s32 $0x0, s20;
	[sflag:s22] =	ssyncset.done $0x0  }
0xa1: {  	[sflag:s22] =	ssyncadd.s32 s5;
	_ =	sdelay $0x1  }
0xa2: {  	s23 =	simm.s32 $0x1B8B  }
0xa3: {  	_ =	swait.ge [sflag:s23], $0x1  }
0xa4: {  	[sflag:s23] =	ssyncset.done $0x0  }
0xa5: {  	s25 =	simm.s32 $0x1B8E;
	s24 =	sld [smem:$0x3FFE];
	[sflag:s23] =	ssyncadd.s32 $0xFFFFFFFF  }
0xa6: {  	s26 =	simm.s32 $execute0_lowered;
	[smem:$0x3FD2] =	sst s25  }
0xa7: {  	s6 =	sshll.u32 s26, $0x1;
	_ =	strace $0x80000046;
	[dreg:$0x1] =	wrdreg $0xFFFFFFFF  }
0xa8: {  	s28 =	simm.s32 $_size_execute0_lowered;
	s4 =	sadd.s32 s4, s6;
	[dreg:$0x0] =	wrdreg $0x0  }
0xa9: {  	s6 =	sshll.u32 s28, $0x1;
	[dreg:$0x2] =	wrdreg s4  }
0xaa: {  	[dreg:$0x3] =	wrdreg s6  }
0xab: {  	[dreg:$0x4] =	wrdreg $0xC0  }
0xac: {  	_ =	task [dreg:s8], $0x5FFFF  }
0xad: {  	[dreg:$0x1] =	wrdreg $0xFFFFFFFF  }
0xae: {  	[dreg:$0x0] =	wrdreg $0x60  }
0xaf: {  	[dreg:$0x2] =	wrdreg s24  }
0xb0: {  	[dreg:$0x3] =	wrdreg s2  }
0xb1: {  	[dreg:$0x4] =	wrdreg s18  }
0xb2: {  	[dreg:$0x5] =	wrdreg $0x9  }
0xb3: {  	_ =	task.clear_ibuf [dreg:s8], $0x6FFFF;
	_ =	strace $0x90000046  }
0xb4: {  	s29 =	simm.s32 $0x9;
	_ =	strace $0x80000048  }
0xb5: {  	_ =	swait.ge [sflag:s29], $0x1  }
0xb6: {  	[sflag:s29] =	ssyncadd.s32 $0xFFFFFFFF  }
0xb7: {  	_ =	strace $0x90000048  }
0xb8: {  	_ =	sfence  }
0xb9: {  	s30 =	sld [smem:$0x0];
	_ =	sdelay $0x2  }
0xba: {  	s31 =	sshll.u32 s1, $0xD;
	s1 =	sshrl.u32 s1, $0x2  }
0xbb: {  	s3 =	sand.u32 $0x4000, s31;
	s1 =	sadd.s32 s1, s30  }
0xbc: {  	s0 =	sor.u32 s3, s0;
	s1 =	sshll.u32 s1, $0x11  }
0xbd: {  	s0 =	sor.u32 s1, s0  }
0xbe: {  	s0 =	sadd.s32 $0x8F2B, s0  }
0xbf: {  	[sflag:s0] =	ssyncadd.remote.s32 $0x1  }
0xc0: {  	_ =	sfence.sel $0xFFFF  }
0xc1: {  	[dreg:$0x0] =	wrdreg $0xFFFFFFFF;
	(pc) =	sbr.abs _section_cstart, $3  }
0xc2: {  	[dreg:$0x1] =	wrdreg $0xFFFFFFFF  }
0xc3: {  	_ =	task.clear_ibuf [dreg:s8], $0x2FFFF;
	_ =	strace $0x9FFFFFFF  }
0xc4: {  	(tm) =	ssettm $0x7FFFFFFF  }
0xc5: {  	_ =	shalt  }
tec
execute0_lowered:
.L_overlay_start_1:
0x0: {  	(tag) =	ssettag $0x1  }
0x1: {  	s7 =	rddreg [dreg:$0x0]  }
0x2: {  	s1 =	rddreg [dreg:$0x1]  }
0x3: {  	s6 =	rddreg [dreg:$0x2]  }
0x4: {  	s0 =	rddreg [dreg:$0x3]  }
0x5: {  	s3 =	simm.s32 $0x0;
	s4 =	srdreg.scid;
	s2 =	stileid.u32  }
0x6: {  	s13 =	simm.s32 $0x18B00;
	s14 =	simm.s32 $0x1;
	s15 =	simm.s32 $0x18F00  }
0x7: {  	[smem:$0x7FF] =	sst s3;
	s4 =	sand.u32 $0x1, s4;
	s5 =	sshll.u32 s2, $0x1  }
0x8: {  	s8 =	sshrl.u32 s2, $0x1;
	_ =	strace $0x80000047;
	s5 =	sor.u32 s4, s5  }
0x9: {  	s4 =	ssub.s32 $0x2, s4;
	s9 =	smul.u32 $0xC3800, s8;
	s30 =	sshll.u32 s8, $0xD  }
0xa: {  	s10 =	sshll.u32 s5, $0x8;
	s5 =	sshll.u32 s5, $0x4;
	s11 =	sshrl.u32 s4, $0x1  }
0xb: {  	s10 =	sand.u32 $0x300, s10;
	s12 =	sadd.s32 s5, s7;
	s11 =	ssub.s32 s4, s11  }
0xc: {  	s29 =	sor.u32 s9, s10;
	s31 =	sor.u32 $0x80, s10;
	s10 =	sor.u32 s30, s10  }
0xd: {  	s4 =	sshrl.u32 s29, $0x3;
	s9 =	sor.u32 s9, s31;
	s10 =	sshrl.u32 s10, $0x3  }
0xe: {  	s8 =	sor.u32 s30, s31;
	s4 =	sadd.s32 s6, s4;
	s9 =	sshrl.u32 s9, $0x3  }
0xf: {  	s5 =	sadd.s32 s7, s10;
	s8 =	sshrl.u32 s8, $0x3;
	s10 =	simm.s32 $0x2  }
0x10: {  	s6 =	sadd.s32 s6, s9;
	s7 =	sadd.s32 s7, s8;
	s8 =	sadd.s32 $0x2000, s12  }
0x11: {  	s9 =	smax.u32 s11, $0x1;
	s11 =	simm.s32 $0x80;
	s12 =	simm.s32 $0x400  }
.LBB2_1:
0x12: {  	[tilespmem:s3], [sflag:$0x2] =	stream.linear.gather [hbm4b:s1+s3], $0x400, $0x38;
	[tilespmem:$0x18F80] =	vst v63  }
0x13: {  	_ =	swait.ge [sflag:s10], $0x400  }
0x14: {  	[sflag:s10] =	ssyncset.done $0x0  }
0x15: {  	[sflag:s10] =	ssyncadd.s32 $0xFFFFFC00  }
0x16: {  	[tilespmem:s12], [sflag:$0x1] =	stream.strided.gather [hbm4b:s4+s11], $0x18700, s12, s11, $0x38;
	[tilespmem:$0x18F80] =	vst v63  }
0x17: {  	_ = 	snop  }
0x18: {  	[tilespmem:s13], [sflag:$0x2] =	stream.strided.gather [hbm4b:s5+s11], $0x400, s12, s11, $0x38;
	[tilespmem:$0x18F80] =	vst v63  }
0x19: {  	_ =	swait.ge [sflag:s10], $0x400  }
0x1a: {  	[sflag:s10] =	ssyncset.done $0x0  }
0x1b: {  	[sflag:s10] =	ssyncadd.s32 $0xFFFFFC00  }
0x1c: {  	_ =	swait.ge [sflag:s14], $0x18700  }
0x1d: {  	[sflag:s14] =	ssyncset.done $0x0  }
0x1e: {  	[sflag:s14] =	ssyncadd.s32 $0xFFFE7900  }
0x1f: {  	v0 =	vld [tilespmem:$0x0]  }
0x20: {  	v1 =	vld [tilespmem:$0x10]  }
0x21: {  	v2 =	vld [tilespmem:$0x20]  }
0x22: {  	v3 =	vld [tilespmem:$0x30]  }
0x23: {  	v4 =	vld [tilespmem:$0x40]  }
0x24: {  	v5 =	vld [tilespmem:$0x50]  }
0x25: {  	v6 =	vld [tilespmem:$0x60]  }
0x26: {  	v7 =	vld [tilespmem:$0x70]  }
0x27: {  	v15 =	vld [tilespmem:$0x80]  }
0x28: {  	v16 =	vld [tilespmem:$0x90]  }
0x29: {  	v17 =	vld [tilespmem:$0xA0]  }
0x2a: {  	v18 =	vld [tilespmem:$0xB0]  }
0x2b: {  	v19 =	vld [tilespmem:$0xC0]  }
0x2c: {  	v20 =	vld [tilespmem:$0xD0]  }
0x2d: {  	v21 =	vld [tilespmem:$0xE0]  }
0x2e: {  	v22 =	vld [tilespmem:$0xF0]  }
0x2f: {  	v23 =	vld [tilespmem:$0x100]  }
0x30: {  	v24 =	vld [tilespmem:$0x110]  }
0x31: {  	v25 =	vld [tilespmem:$0x120]  }
0x32: {  	v26 =	vld [tilespmem:$0x130]  }
0x33: {  	v27 =	vld [tilespmem:$0x140]  }
0x34: {  	v28 =	vld [tilespmem:$0x150]  }
0x35: {  	v29 =	vld [tilespmem:$0x160]  }
0x36: {  	v30 =	vld [tilespmem:$0x170]  }
0x37: {  	v31 =	vld [tilespmem:$0x180]  }
0x38: {  	v32 =	vld [tilespmem:$0x190]  }
0x39: {  	v33 =	vld [tilespmem:$0x1A0]  }
0x3a: {  	v34 =	vld [tilespmem:$0x1B0]  }
0x3b: {  	v35 =	vld [tilespmem:$0x1C0]  }
0x3c: {  	v9 =	vld [tilespmem:$0x1D0]  }
0x3d: {  	v10 =	vld [tilespmem:$0x1E0]  }
0x3e: {  	v11 =	vld [tilespmem:$0x1F0]  }
0x3f: {  	v12 =	vld [tilespmem:$0x200]  }
0x40: {  	v13 =	vld [tilespmem:$0x210]  }
0x41: {  	v14 =	vld [tilespmem:$0x220]  }
0x42: {  	v8 =	vld [tilespmem:$0x18B80]  }
0x43: {  	v63 =	vld.idx.msk [tilespmem:v0+s12+$0x0], $0xffff  }
0x44: {  	v62 =	vld.idx.msk [tilespmem:v1+s12+$0x0], $0xffff  }
0x45: {  	v61 =	vld.idx.msk [tilespmem:v2+s12+$0x0], $0xffff  }
0x46: {  	v60 =	vld.idx.msk [tilespmem:v3+s12+$0x0], $0xffff  }
0x47: {  	v59 =	vld.idx.msk [tilespmem:v4+s12+$0x0], $0xffff  }
0x48: {  	v58 =	vld.idx.msk [tilespmem:v5+s12+$0x0], $0xffff  }
0x49: {  	v56 =	vld.idx.msk [tilespmem:v6+s12+$0x0], $0xffff  }
0x4a: {  	v54 =	vld.idx.msk [tilespmem:v7+s12+$0x0], $0xffff  }
0x4b: {  	v57 =	vld.idx.msk [tilespmem:v15+s12+$0x0], $0xffff  }
0x4c: {  	v55 =	vld.idx.msk [tilespmem:v16+s12+$0x0], $0xffff  }
0x4d: {  	v53 =	vld.idx.msk [tilespmem:v17+s12+$0x0], $0xffff  }
0x4e: {  	v52 =	vld.idx.msk [tilespmem:v18+s12+$0x0], $0xffff  }
0x4f: {  	v51 =	vld.idx.msk [tilespmem:v19+s12+$0x0], $0xffff  }
0x50: {  	v50 =	vld.idx.msk [tilespmem:v20+s12+$0x0], $0xffff  }
0x51: {  	v48 =	vld.idx.msk [tilespmem:v21+s12+$0x0], $0xffff  }
0x52: {  	v46 =	vld.idx.msk [tilespmem:v22+s12+$0x0], $0xffff  }
0x53: {  	v49 =	vld.idx.msk [tilespmem:v23+s12+$0x0], $0xffff  }
0x54: {  	v47 =	vld.idx.msk [tilespmem:v24+s12+$0x0], $0xffff  }
0x55: {  	v45 =	vld.idx.msk [tilespmem:v25+s12+$0x0], $0xffff  }
0x56: {  	v44 =	vld.idx.msk [tilespmem:v26+s12+$0x0], $0xffff  }
0x57: {  	v43 =	vld.idx.msk [tilespmem:v27+s12+$0x0], $0xffff  }
0x58: {  	v42 =	vld.idx.msk [tilespmem:v28+s12+$0x0], $0xffff  }
0x59: {  	v39 =	vld.idx.msk [tilespmem:v29+s12+$0x0], $0xffff  }
0x5a: {  	v37 =	vld.idx.msk [tilespmem:v30+s12+$0x0], $0xffff  }
0x5b: {  	v41 =	vld.idx.msk [tilespmem:v31+s12+$0x0], $0xffff  }
0x5c: {  	v40 =	vld.idx.msk [tilespmem:v32+s12+$0x0], $0xffff  }
0x5d: {  	v38 =	vld.idx.msk [tilespmem:v33+s12+$0x0], $0xffff  }
0x5e: {  	v36 =	vld.idx.msk [tilespmem:v34+s12+$0x0], $0xffff  }
0x5f: {  	v35 =	vld.idx.msk [tilespmem:v35+s12+$0x0], $0xffff  }
0x60: {  	v33 =	vld.idx.msk [tilespmem:v9+s12+$0x0], $0xffff  }
0x61: {  	v31 =	vld.idx.msk [tilespmem:v10+s12+$0x0], $0xffff  }
0x62: {  	v29 =	vld.idx.msk [tilespmem:v11+s12+$0x0], $0xffff  }
0x63: {  	v15 =	vld [tilespmem:$0x230]  }
0x64: {  	v16 =	vld [tilespmem:$0x240]  }
0x65: {  	v17 =	vld [tilespmem:$0x250]  }
0x66: {  	v18 =	vld [tilespmem:$0x260]  }
0x67: {  	v19 =	vld [tilespmem:$0x270]  }
0x68: {  	v34 =	vld.idx.msk [tilespmem:v12+s12+$0x0], $0xffff  }
0x69: {  	v32 =	vld.idx.msk [tilespmem:v13+s12+$0x0], $0xffff  }
0x6a: {  	v30 =	vld.idx.msk [tilespmem:v14+s12+$0x0], $0xffff  }
0x6b: {  	v22 =	vld [tilespmem:$0x280]  }
0x6c: {  	v23 =	vld [tilespmem:$0x290]  }
0x6d: {  	v9 =	vld [tilespmem:$0x2A0]  }
0x6e: {  	v10 =	vld [tilespmem:$0x2B0]  }
0x6f: {  	v11 =	vld [tilespmem:$0x2C0]  }
0x70: {  	v12 =	vld [tilespmem:$0x2D0]  }
0x71: {  	v13 =	vld [tilespmem:$0x2E0]  }
0x72: {  	v14 =	vld [tilespmem:$0x2F0]  }
0x73: {  	v24 =	vld [tilespmem:$0x320]  }
0x74: {  	v7 =	vld [tilespmem:$0x18B00]  }
0x75: {  	v1 =	vld [tilespmem:$0x18B20]  }
0x76: {  	v5 =	vld [tilespmem:$0x18B60]  }
0x77: {  	v2 =	vld [tilespmem:$0x18C70]  }
0x78: {  	v3 =	vld [tilespmem:$0x18C90]  }
0x79: {  	v4 =	vld [tilespmem:$0x18CB0]  }
0x7a: {  	v6 =	vld [tilespmem:$0x18CF0]  }
0x7b: {  	v7 =	vmul.f32 v7, v63;
	v63 =	vld [tilespmem:$0x18C10]  }
0x7c: {  	v1 =	vmul.f32 v1, v61;
	v61 =	vld [tilespmem:$0x18C60]  }
0x7d: {  	v28 =	vld.idx.msk [tilespmem:v15+s12+$0x0], $0xffff  }
0x7e: {  	v27 =	vld.idx.msk [tilespmem:v16+s12+$0x0], $0xffff  }
0x7f: {  	v26 =	vld.idx.msk [tilespmem:v17+s12+$0x0], $0xffff  }
0x80: {  	v20 =	vld.idx.msk [tilespmem:v18+s12+$0x0], $0xffff  }
0x81: {  	v21 =	vld.idx.msk [tilespmem:v19+s12+$0x0], $0xffff  }
0x82: {  	v25 =	vld.idx.msk [tilespmem:v22+s12+$0x0], $0xffff  }
0x83: {  	v15 =	vld.idx.msk [tilespmem:v23+s12+$0x0], $0xffff  }
0x84: {  	v16 =	vld.idx.msk [tilespmem:v9+s12+$0x0], $0xffff  }
0x85: {  	v17 =	vld.idx.msk [tilespmem:v10+s12+$0x0], $0xffff  }
0x86: {  	v18 =	vld.idx.msk [tilespmem:v11+s12+$0x0], $0xffff  }
0x87: {  	v19 =	vld.idx.msk [tilespmem:v12+s12+$0x0], $0xffff  }
0x88: {  	v22 =	vld [tilespmem:$0x300]  }
0x89: {  	v23 =	vld [tilespmem:$0x310]  }
0x8a: {  	v9 =	vld [tilespmem:$0x330]  }
0x8b: {  	v10 =	vld [tilespmem:$0x340]  }
0x8c: {  	v11 =	vld [tilespmem:$0x350]  }
0x8d: {  	v12 =	vld [tilespmem:$0x360]  }
0x8e: {  	[tilespmem:$0x1FE70] =	vst v20;
	v20 =	vld.idx.msk [tilespmem:v13+s12+$0x0], $0xffff  }
0x8f: {  	[tilespmem:$0x1FE80] =	vst v21;
	v21 =	vld.idx.msk [tilespmem:v14+s12+$0x0], $0xffff  }
0x90: {  	v13 =	vld [tilespmem:$0x370]  }
0x91: {  	[tilespmem:$0x1FE90] =	vst v15;
	v15 =	vld.idx.msk [tilespmem:v24+s12+$0x0], $0xffff  }
0x92: {  	v24 =	vld [tilespmem:$0x3B0]  }
0x93: {  	v0 =	vld.idx.msk [tilespmem:v22+s12+$0x0], $0xffff  }
0x94: {  	v14 =	vld.idx.msk [tilespmem:v23+s12+$0x0], $0xffff  }
0x95: {  	[tilespmem:$0x1FEA0] =	vst v16;
	v16 =	vld.idx.msk [tilespmem:v9+s12+$0x0], $0xffff  }
0x96: {  	[tilespmem:$0x1FEB0] =	vst v17;
	v17 =	vld.idx.msk [tilespmem:v10+s12+$0x0], $0xffff  }
0x97: {  	[tilespmem:$0x1FEC0] =	vst v18;
	v18 =	vld.idx.msk [tilespmem:v11+s12+$0x0], $0xffff  }
0x98: {  	[tilespmem:$0x1FED0] =	vst v19;
	v19 =	vld.idx.msk [tilespmem:v12+s12+$0x0], $0xffff  }
0x99: {  	v22 =	vld [tilespmem:$0x390]  }
0x9a: {  	v23 =	vld [tilespmem:$0x3A0]  }
0x9b: {  	v9 =	vld [tilespmem:$0x3C0]  }
0x9c: {  	v10 =	vld [tilespmem:$0x3D0]  }
0x9d: {  	v11 =	vld [tilespmem:$0x3E0]  }
0x9e: {  	v12 =	vld [tilespmem:$0x3F0]  }
0x9f: {  	[tilespmem:$0x1FEF0] =	vst v21;
	v21 =	vld [tilespmem:$0x380]  }
0xa0: {  	[tilespmem:$0x1FEE0] =	vst v20;
	v20 =	vld.idx.msk [tilespmem:v13+s12+$0x0], $0xffff  }
0xa1: {  	[tilespmem:$0x1FF20] =	vst v15;
	v15 =	vld.idx.msk [tilespmem:v24+s12+$0x0], $0xffff  }
0xa2: {  	v24 =	vld [tilespmem:$0x18B50]  }
0xa3: {  	v13 =	vld.idx.msk [tilespmem:v22+s12+$0x0], $0xffff  }
0xa4: {  	[tilespmem:$0x1FF10] =	vst v14;
	v14 =	vld.idx.msk [tilespmem:v23+s12+$0x0], $0xffff  }
0xa5: {  	[tilespmem:$0x1FF30] =	vst v16;
	v16 =	vld.idx.msk [tilespmem:v9+s12+$0x0], $0xffff  }
0xa6: {  	[tilespmem:$0x1FF40] =	vst v17;
	v17 =	vld.idx.msk [tilespmem:v10+s12+$0x0], $0xffff  }
0xa7: {  	[tilespmem:$0x1FF50] =	vst v18;
	v18 =	vld.idx.msk [tilespmem:v11+s12+$0x0], $0xffff  }
0xa8: {  	[tilespmem:$0x1FF60] =	vst v19;
	v19 =	vld.idx.msk [tilespmem:v12+s12+$0x0], $0xffff  }
0xa9: {  	v22 =	vld [tilespmem:$0x18B30]  }
0xaa: {  	v23 =	vld [tilespmem:$0x18B40]  }
0xab: {  	v9 =	vld [tilespmem:$0x18B90]  }
0xac: {  	v10 =	vld [tilespmem:$0x18BA0]  }
0xad: {  	v11 =	vld [tilespmem:$0x18BB0]  }
0xae: {  	v12 =	vld [tilespmem:$0x18BC0]  }
0xaf: {  	[tilespmem:$0x1FF00] =	vst v0;
	v0 =	vld.idx.msk [tilespmem:v21+s12+$0x0], $0xffff  }
0xb0: {  	[tilespmem:$0x1FF70] =	vst v20;
	v20 =	vld [tilespmem:$0x18B10]  }
0xb1: {  	v21 =	vld [tilespmem:$0x18B70]  }
0xb2: {  	[tilespmem:$0x1FFB0] =	vst v15;
	v15 =	vld [tilespmem:$0x18BF0]  }
0xb3: {  	v24 =	vmul.f32 v24, v58;
	v58 =	vld [tilespmem:$0x18CC0];
	[tilespmem:$0x1FF90] =	vst v13  }
0xb4: {  	[tilespmem:$0x1FFA0] =	vst v14;
	v13 =	vld [tilespmem:$0x18BD0]  }
0xb5: {  	[tilespmem:$0x1FFC0] =	vst v16;
	v14 =	vld [tilespmem:$0x18BE0]  }
0xb6: {  	[tilespmem:$0x1FFD0] =	vst v17;
	v16 =	vld [tilespmem:$0x18C00]  }
0xb7: {  	[tilespmem:$0x1FFE0] =	vst v18;
	v17 =	vld [tilespmem:$0x18C20]  }
0xb8: {  	v7 =	vadd.f32 $0.0e+00, v7;
	v18 =	vld [tilespmem:$0x18C40];
	[tilespmem:$0x1FF80] =	vst v0;
	v0 =	vmul.f32 v20, v62  }
0xb9: {  	v22 =	vmul.f32 v22, v60;
	v60 =	vld [tilespmem:$0x18C80]  }
0xba: {  	v23 =	vmul.f32 v23, v59;
	v59 =	vld [tilespmem:$0x18CA0];
	v0 =	vadd.f32 v0, v7  }
0xbb: {  	[tilespmem:$0x1FFF0] =	vst v19;
	v19 =	vmul.f32 v5, v56;
	v5 =	vld [tilespmem:$0x18CD0]  }
0xbc: {  	v56 =	vld [tilespmem:$0x18CE0];
	v0 =	vadd.f32 v1, v0  }
0xbd: {  	v62 =	vld [tilespmem:$0x18C30]  }
0xbe: {  	v20 =	vmul.f32 v21, v54;
	v54 =	vld [tilespmem:$0x18D00];
	v0 =	vadd.f32 v22, v0  }
0xbf: {  	v21 =	vmul.f32 v8, v57;
	v8 =	vld [tilespmem:$0x18D10]  }
0xc0: {  	v57 =	vld [tilespmem:$0x18D20];
	v0 =	vadd.f32 v23, v0  }
0xc1: {  	v7 =	vld [tilespmem:$0x18C50]  }
0xc2: {  	v22 =	vmul.f32 v9, v55;
	v9 =	vld [tilespmem:$0x18D30];
	v0 =	vadd.f32 v24, v0  }
0xc3: {  	v55 =	vld [tilespmem:$0x18D40]  }
0xc4: {  	v23 =	vmul.f32 v10, v53;
	v10 =	vld [tilespmem:$0x18D50];
	v0 =	vadd.f32 v19, v0  }
0xc5: {  	v53 =	vmul.f32 v13, v50;
	v13 =	vld [tilespmem:$0x18DB0]  }
0xc6: {  	v50 =	vmul.f32 v16, v49;
	v16 =	vld [tilespmem:$0x18E10];
	v0 =	vadd.f32 v20, v0  }
0xc7: {  	v49 =	vld [tilespmem:$0x18E60]  }
0xc8: {  	v24 =	vmul.f32 v11, v52;
	v11 =	vld [tilespmem:$0x18D70];
	v0 =	vadd.f32 v21, v0  }
0xc9: {  	v52 =	vmul.f32 v12, v51;
	v12 =	vld [tilespmem:$0x18D90]  }
0xca: {  	v51 =	vld [tilespmem:$0x18E40];
	v0 =	vadd.f32 v22, v0  }
0xcb: {  	v19 =	vld [tilespmem:$0x18D60]  }
0xcc: {  	v20 =	vld [tilespmem:$0x18D80];
	v0 =	vadd.f32 v23, v0  }
0xcd: {  	v21 =	vld [tilespmem:$0x18DA0]  }
0xce: {  	v22 =	vld [tilespmem:$0x18DC0];
	v0 =	vadd.f32 v24, v0  }
0xcf: {  	v23 =	vld [tilespmem:$0x18DE0]  }
0xd0: {  	v24 =	vmul.f32 v14, v48;
	v14 =	vld [tilespmem:$0x18DD0];
	v0 =	vadd.f32 v52, v0  }
0xd1: {  	v48 =	vmul.f32 v15, v46;
	v15 =	vld [tilespmem:$0x18DF0]  }
0xd2: {  	v46 =	vmul.f32 v63, v47;
	v47 =	vmul.f32 v17, v45;
	v45 =	vld [tilespmem:$0x18EA0];
	v0 =	vadd.f32 v53, v0  }
0xd3: {  	v63 =	vmul.f32 v62, v44;
	v44 =	vld [tilespmem:$0x18EB0]  }
0xd4: {  	v17 =	vmul.f32 v18, v43;
	v43 =	vld [tilespmem:$0x18EC0];
	v0 =	vadd.f32 v24, v0  }
0xd5: {  	v18 =	vmul.f32 v7, v42;
	v42 =	vld [tilespmem:$0x18ED0]  }
0xd6: {  	v62 =	vmul.f32 v61, v39;
	v39 =	vld [tilespmem:$0x18EE0];
	v0 =	vadd.f32 v48, v0  }
0xd7: {  	v52 =	vld [tilespmem:$0x18E30]  }
0xd8: {  	v53 =	vld [tilespmem:$0x18E20];
	v0 =	vadd.f32 v50, v0  }
0xd9: {  	v24 =	vld [tilespmem:$0x18E00]  }
0xda: {  	v48 =	vld [tilespmem:$0x18E70];
	v0 =	vadd.f32 v46, v0  }
0xdb: {  	v50 =	vld [tilespmem:$0x18E50]  }
0xdc: {  	v46 =	vld [tilespmem:$0x18E90];
	v0 =	vadd.f32 v47, v0  }
0xdd: {  	v47 =	vld [tilespmem:$0x18E80]  }
0xde: {  	v0 =	vadd.f32 v63, v0;
	v63 =	vmul.f32 v2, v37;
	v37 =	vld [tilespmem:$0x18EF0];
	[tilespmem:s12], [sflag:$0x1] =	stream.strided.gather [hbm4b:s6+s11], $0x18700, s12, s11, $0x38  }
0xdf: {  	_ = 	snop  }
0xe0: {  	[tilespmem:s13], [sflag:$0x2] =	stream.strided.gather [hbm4b:s7+s11], $0x400, s12, s11, $0x38;
	[tilespmem:$0x18F80] =	vst v63  }
0xe1: {  	_ =	swait.ge [sflag:s10], $0x400  }
0xe2: {  	[sflag:s10] =	ssyncset.done $0x0  }
0xe3: {  	[sflag:s10] =	ssyncadd.s32 $0xFFFFFC00  }
0xe4: {  	v61 =	vmul.f32 v56, v31;
	v31 =	vmul.f32 v54, v34;
	v0 =	vadd.f32 v17, v0;
	_ =	swait.ge [sflag:s14], $0x18700  }
0xe5: {  	v54 =	vmul.f32 v55, v27;
	v55 =	vmul.f32 v10, v26;
	[sflag:s14] =	ssyncset.done $0x0;
	v26 =	vld [tilespmem:$0x1FEB0]  }
0xe6: {  	v0 =	vadd.f32 v18, v0;
	v18 =	vmul.f32 v59, v38;
	v38 =	vmul.f32 v58, v35;
	v35 =	vld [tilespmem:$0x1FED0];
	[sflag:s14] =	ssyncadd.s32 $0xFFFE7900  }
0xe7: {  	v17 =	vmul.f32 v3, v40;
	v40 =	vld [tilespmem:$0x0]  }
0xe8: {  	v7 =	vmul.f32 v60, v41;
	v41 =	vld [tilespmem:$0x10]  }
0xe9: {  	v59 =	vld [tilespmem:$0x20]  }
0xea: {  	v0 =	vadd.f32 v62, v0;
	v60 =	vld [tilespmem:$0x30]  }
0xeb: {  	v62 =	vld [tilespmem:$0x40]  }
0xec: {  	v0 =	vadd.f32 v63, v0;
	v63 =	vld [tilespmem:$0x50]  }
0xed: {  	v36 =	vmul.f32 v4, v36;
	v4 =	vld [tilespmem:$0x18B00]  }
0xee: {  	v58 =	vmul.f32 v5, v33;
	v5 =	vld [tilespmem:$0x18B10];
	v0 =	vadd.f32 v7, v0  }
0xef: {  	v29 =	vmul.f32 v6, v29;
	v6 =	vld [tilespmem:$0x18B20]  }
0xf0: {  	v56 =	vld [tilespmem:$0x70];
	v0 =	vadd.f32 v17, v0  }
0xf1: {  	v27 =	vld [tilespmem:$0xB0]  }
0xf2: {  	v34 =	vld [tilespmem:$0xC0];
	v0 =	vadd.f32 v18, v0  }
0xf3: {  	v18 =	vld [tilespmem:$0x18B60]  }
0xf4: {  	v0 =	vadd.f32 v36, v0;
	v36 =	vmul.f32 v8, v32;
	v8 =	vld [tilespmem:$0x18B30]  }
0xf5: {  	v2 =	vld.idx.msk [tilespmem:v40+s12+$0x0], $0xffff  }
0xf6: {  	v33 =	vld.idx.msk [tilespmem:v41+s12+$0x0], $0xffff  }
0xf7: {  	v32 =	vld.idx.msk [tilespmem:v59+s12+$0x0], $0xffff  }
0xf8: {  	v41 =	vld [tilespmem:$0x60]  }
0xf9: {  	v40 =	vmul.f32 v9, v28;
	v9 =	vld [tilespmem:$0x18B40]  }
0xfa: {  	v59 =	vld [tilespmem:$0x1FE80]  }
0xfb: {  	v7 =	vld.idx.msk [tilespmem:v56+s12+$0x0], $0xffff  }
0xfc: {  	v28 =	vld [tilespmem:$0x1FEC0]  }
0xfd: {  	v56 =	vld [tilespmem:$0xF0];
	v0 =	vadd.f32 v38, v0  }
0xfe: {  	v38 =	vmul.f32 v57, v30;
	v57 =	vld [tilespmem:$0x1FE70]  }
0xff: {  	v30 =	vld.idx.msk [tilespmem:v62+s12+$0x0], $0xffff;
	v0 =	vadd.f32 v58, v0  }
0x100: {  	v62 =	vld [tilespmem:$0x1FE90]  }
0x101: {  	v58 =	vld [tilespmem:$0x80];
	v0 =	vadd.f32 v61, v0  }
0x102: {  	v61 =	vld [tilespmem:$0x90]  }
0x103: {  	v1 =	vmul.f32 v19, v57;
	v19 =	vld [tilespmem:$0x18B70];
	v0 =	vadd.f32 v29, v0  }
0x104: {  	v57 =	vld [tilespmem:$0x1FF20]  }
0x105: {  	v29 =	vld.idx.msk [tilespmem:v63+s12+$0x0], $0xffff;
	v0 =	vadd.f32 v31, v0  }
0x106: {  	v63 =	vld [tilespmem:$0xA0]  }
0x107: {  	v3 =	vld.idx.msk [tilespmem:v41+s12+$0x0], $0xffff;
	v0 =	vadd.f32 v36, v0  }
0x108: {  	v41 =	vld [tilespmem:$0xE0]  }
0x109: {  	v31 =	vld.idx.msk [tilespmem:v60+s12+$0x0], $0xffff;
	v0 =	vadd.f32 v38, v0  }
0x10a: {  	v60 =	vmul.f32 v20, v25;
	v25 =	vld [tilespmem:$0x1FEA0]  }
0x10b: {  	v20 =	vld [tilespmem:$0x18B80];
	v0 =	vadd.f32 v40, v0  }
0x10c: {  	v10 =	vld.idx.msk [tilespmem:v58+s12+$0x0], $0xffff  }
0x10d: {  	v36 =	vld [tilespmem:$0x1FEE0];
	v0 =	vadd.f32 v54, v0  }
0x10e: {  	v58 =	vld [tilespmem:$0x100]  }
0x10f: {  	v17 =	vld.idx.msk [tilespmem:v61+s12+$0x0], $0xffff;
	v0 =	vadd.f32 v55, v0  }
0x110: {  	v38 =	vld [tilespmem:$0xD0]  }
0x111: {  	v61 =	vld [tilespmem:$0x110];
	v0 =	vadd.f32 v1, v0;
	v1 =	vmul.f32 v11, v59  }
0x112: {  	v40 =	vld [tilespmem:$0x1FEF0]  }
0x113: {  	v20 =	vmul.f32 v20, v10;
	v10 =	vld [tilespmem:$0x18CB0];
	v0 =	vadd.f32 v1, v0  }
0x114: {  	v54 =	vld [tilespmem:$0x1FF00]  }
0x115: {  	v55 =	vld [tilespmem:$0x1FF10];
	v1 =	vmul.f32 v12, v62;
	v0 =	vadd.f32 v60, v0  }
0x116: {  	v11 =	vld [tilespmem:$0x18B50]  }
0x117: {  	v59 =	vld [tilespmem:$0x1FF30];
	v0 =	vadd.f32 v1, v0;
	v1 =	vmul.f32 v21, v25  }
0x118: {  	v12 =	vld.idx.msk [tilespmem:v63+s12+$0x0], $0xffff  }
0x119: {  	v62 =	vld [tilespmem:$0x1FF50];
	v0 =	vadd.f32 v1, v0;
	v1 =	vmul.f32 v13, v26  }
0x11a: {  	v63 =	vld [tilespmem:$0x120]  }
0x11b: {  	v60 =	vld [tilespmem:$0x1FF40];
	v0 =	vadd.f32 v1, v0;
	v1 =	vmul.f32 v22, v28  }
0x11c: {  	v21 =	vld.idx.msk [tilespmem:v34+s12+$0x0], $0xffff  }
0x11d: {  	v25 =	vld [tilespmem:$0x18BC0];
	v0 =	vadd.f32 v1, v0;
	v1 =	vmul.f32 v14, v35  }
0x11e: {  	v34 =	vld [tilespmem:$0x18BE0]  }
0x11f: {  	v13 =	vld.idx.msk [tilespmem:v27+s12+$0x0], $0xffff;
	v0 =	vadd.f32 v1, v0;
	v1 =	vmul.f32 v23, v36  }
0x120: {  	v27 =	vld [tilespmem:$0x18BD0]  }
0x121: {  	v26 =	vld.idx.msk [tilespmem:v58+s12+$0x0], $0xffff;
	v0 =	vadd.f32 v1, v0;
	v1 =	vmul.f32 v15, v40  }
0x122: {  	v58 =	vld [tilespmem:$0x160]  }
0x123: {  	v22 =	vld.idx.msk [tilespmem:v38+s12+$0x0], $0xffff;
	v0 =	vadd.f32 v1, v0;
	v1 =	vmul.f32 v24, v54  }
0x124: {  	v28 =	vld.idx.msk [tilespmem:v61+s12+$0x0], $0xffff  }
0x125: {  	v61 =	vld [tilespmem:$0x170];
	v0 =	vadd.f32 v1, v0;
	v1 =	vmul.f32 v16, v55  }
0x126: {  	v14 =	vld [tilespmem:$0x18B90]  }
0x127: {  	v35 =	vld.idx.msk [tilespmem:v63+s12+$0x0], $0xffff;
	v0 =	vadd.f32 v1, v0;
	v1 =	vmul.f32 v53, v57  }
0x128: {  	v63 =	vld [tilespmem:$0x180]  }
0x129: {  	v23 =	vld [tilespmem:$0x18BA0];
	v0 =	vadd.f32 v1, v0;
	v1 =	vmul.f32 v52, v59  }
0x12a: {  	v15 =	vld.idx.msk [tilespmem:v41+s12+$0x0], $0xffff  }
0x12b: {  	v41 =	vld [tilespmem:$0x1FF60];
	v0 =	vadd.f32 v1, v0;
	v1 =	vmul.f32 v51, v60  }
0x12c: {  	v36 =	vld [tilespmem:$0x18BF0]  }
0x12d: {  	v0 =	vadd.f32 v1, v0;
	v1 =	vmul.f32 v50, v62;
	v50 =	vld [tilespmem:$0x1FF70]  }
0x12e: {  	v40 =	vld [tilespmem:$0x18C00]  }
0x12f: {  	v52 =	vld [tilespmem:$0x1FF80]  }
0x130: {  	v24 =	vld [tilespmem:$0x18BB0];
	v0 =	vadd.f32 v1, v0;
	v1 =	vmul.f32 v49, v41  }
0x131: {  	v54 =	vld [tilespmem:$0x1FF90]  }
0x132: {  	v55 =	vld [tilespmem:$0x1FFA0];
	v0 =	vadd.f32 v1, v0;
	v1 =	vmul.f32 v48, v50  }
0x133: {  	v53 =	vld [tilespmem:$0x140]  }
0x134: {  	v16 =	vld.idx.msk [tilespmem:v56+s12+$0x0], $0xffff;
	v0 =	vadd.f32 v1, v0;
	v1 =	vmul.f32 v47, v52  }
0x135: {  	v57 =	vld [tilespmem:$0x1FFB0]  }
0x136: {  	v56 =	vld [tilespmem:$0x150];
	v0 =	vadd.f32 v1, v0;
	v1 =	vmul.f32 v46, v54  }
0x137: {  	v59 =	vld [tilespmem:$0x1FFC0]  }
0x138: {  	v51 =	vld [tilespmem:$0x130];
	v0 =	vadd.f32 v1, v0;
	v1 =	vmul.f32 v45, v55  }
0x139: {  	v60 =	vld [tilespmem:$0x1FFD0]  }
0x13a: {  	v62 =	vld [tilespmem:$0x1FFE0];
	v0 =	vadd.f32 v1, v0;
	v1 =	vmul.f32 v44, v57  }
0x13b: {  	v41 =	vld.idx.msk [tilespmem:v53+s12+$0x0], $0xffff  }
0x13c: {  	v49 =	vld [tilespmem:$0x1FFF0];
	v0 =	vadd.f32 v1, v0;
	v1 =	vmul.f32 v43, v59  }
0x13d: {  	v53 =	vld [tilespmem:$0x1A0]  }
0x13e: {  	v48 =	vld [tilespmem:$0x18C40];
	v0 =	vadd.f32 v1, v0;
	v1 =	vmul.f32 v42, v60  }
0x13f: {  	v50 =	vmul.f32 v4, v2;
	v4 =	vld [tilespmem:$0x18C60]  }
0x140: {  	v38 =	vld.idx.msk [tilespmem:v51+s12+$0x0], $0xffff;
	v0 =	vadd.f32 v1, v0;
	v1 =	vmul.f32 v39, v62  }
0x141: {  	v51 =	vld [tilespmem:$0x190]  }
0x142: {  	v47 =	vld [tilespmem:$0x18C20];
	v0 =	vadd.f32 v1, v0;
	v1 =	vmul.f32 v37, v49  }
0x143: {  	v52 =	vmul.f32 v5, v33;
	v5 =	vld.idx.msk [tilespmem:v61+s12+$0x0], $0xffff  }
0x144: {  	v61 =	vld [tilespmem:$0x1D0];
	v0 =	vadd.f32 v1, v0  }
0x145: {  	v33 =	vld [tilespmem:$0x1F0]  }
0x146: {  	v46 =	vld [tilespmem:$0x18C10];
	v0 =	vadd.f32 v50, v0  }
0x147: {  	v54 =	vmul.f32 v6, v32;
	v6 =	vld [tilespmem:$0x18C70]  }
0x148: {  	v32 =	vld.idx.msk [tilespmem:v63+s12+$0x0], $0xffff;
	v0 =	vadd.f32 v52, v0  }
0x149: {  	v63 =	vld [tilespmem:$0x1E0]  }
0x14a: {  	v55 =	vmul.f32 v8, v31;
	v31 =	vld [tilespmem:$0x18C80];
	v0 =	vadd.f32 v54, v0  }
0x14b: {  	v45 =	vld [tilespmem:$0x200]  }
0x14c: {  	v44 =	vld.idx.msk [tilespmem:v58+s12+$0x0], $0xffff;
	v57 =	vmul.f32 v9, v30;
	v0 =	vadd.f32 v55, v0  }
0x14d: {  	v58 =	vld [tilespmem:$0x1C0]  }
0x14e: {  	v30 =	vmul.f32 v14, v17;
	v17 =	vld [tilespmem:$0x18CC0];
	v59 =	vmul.f32 v11, v29;
	v0 =	vadd.f32 v57, v0  }
0x14f: {  	v2 =	vld.idx.msk [tilespmem:v51+s12+$0x0], $0xffff  }
0x150: {  	v51 =	vld [tilespmem:$0x210];
	v60 =	vmul.f32 v18, v3;
	v0 =	vadd.f32 v59, v0  }
0x151: {  	v43 =	vld [tilespmem:$0x18C30]  }
0x152: {  	v11 =	vld [tilespmem:$0x18C90];
	v62 =	vmul.f32 v19, v7;
	v0 =	vadd.f32 v60, v0  }
0x153: {  	v29 =	vld.idx.msk [tilespmem:v53+s12+$0x0], $0xffff  }
0x154: {  	v14 =	vld.idx.msk [tilespmem:v33+s12+$0x0], $0xffff;
	v0 =	vadd.f32 v62, v0  }
0x155: {  	v53 =	vld [tilespmem:$0x220]  }
0x156: {  	v33 =	vld [tilespmem:$0x3A0];
	v0 =	vadd.f32 v20, v0  }
0x157: {  	v18 =	vld [tilespmem:$0x18CA0]  }
0x158: {  	v42 =	vmul.f32 v23, v12;
	v3 =	vld.idx.msk [tilespmem:v61+s12+$0x0], $0xffff;
	v0 =	vadd.f32 v30, v0  }
0x159: {  	v8 =	vld.idx.msk [tilespmem:v63+s12+$0x0], $0xffff  }
0x15a: {  	v61 =	vld [tilespmem:$0x250];
	v49 =	vmul.f32 v24, v13;
	v0 =	vadd.f32 v42, v0  }
0x15b: {  	v63 =	vld [tilespmem:$0x260]  }
0x15c: {  	v39 =	vld.idx.msk [tilespmem:v56+s12+$0x0], $0xffff;
	v50 =	vmul.f32 v25, v21;
	v0 =	vadd.f32 v49, v0  }
0x15d: {  	v56 =	vld [tilespmem:$0x1B0]  }
0x15e: {  	v12 =	vld.idx.msk [tilespmem:v45+s12+$0x0], $0xffff;
	v52 =	vmul.f32 v27, v22;
	v0 =	vadd.f32 v50, v0  }
0x15f: {  	v45 =	vld [tilespmem:$0x290]  }
0x160: {  	v37 =	vld [tilespmem:$0x18C50];
	v54 =	vmul.f32 v34, v15;
	v0 =	vadd.f32 v52, v0  }
0x161: {  	v9 =	vld.idx.msk [tilespmem:v58+s12+$0x0], $0xffff  }
0x162: {  	v13 =	vld [tilespmem:$0x18CD0];
	v55 =	vmul.f32 v36, v16;
	v0 =	vadd.f32 v54, v0  }
0x163: {  	v58 =	vld [tilespmem:$0x240]  }
0x164: {  	v24 =	vld [tilespmem:$0x18D10];
	v57 =	vmul.f32 v40, v26;
	v0 =	vadd.f32 v55, v0  }
0x165: {  	v19 =	vld.idx.msk [tilespmem:v51+s12+$0x0], $0xffff  }
0x166: {  	v21 =	vld.idx.msk [tilespmem:v53+s12+$0x0], $0xffff;
	v59 =	vmul.f32 v46, v28;
	v0 =	vadd.f32 v57, v0  }
0x167: {  	v53 =	vld [tilespmem:$0x18D80]  }
0x168: {  	v37 =	vmul.f32 v37, v39;
	v39 =	vld [tilespmem:$0x18D40];
	v60 =	vmul.f32 v47, v35;
	v0 =	vadd.f32 v59, v0  }
0x169: {  	v7 =	vld.idx.msk [tilespmem:v56+s12+$0x0], $0xffff  }
0x16a: {  	v56 =	vld [tilespmem:$0x230];
	v62 =	vmul.f32 v43, v38;
	v0 =	vadd.f32 v60, v0  }
0x16b: {  	v22 =	vld [tilespmem:$0x18D00]  }
0x16c: {  	v27 =	vld [tilespmem:$0x18DB0];
	v36 =	vmul.f32 v48, v41;
	v0 =	vadd.f32 v62, v0  }
0x16d: {  	v15 =	vld [tilespmem:$0x18CF0]  }
0x16e: {  	v23 =	vld.idx.msk [tilespmem:v58+s12+$0x0], $0xffff;
	v0 =	vadd.f32 v36, v0  }
0x16f: {  	v58 =	vld [tilespmem:$0x18D90]  }
0x170: {  	v34 =	vld [tilespmem:$0x18DC0];
	v40 =	vmul.f32 v4, v44;
	v0 =	vadd.f32 v37, v0  }
0x171: {  	v41 =	vld [tilespmem:$0x280]  }
0x172: {  	v48 =	vld [tilespmem:$0x2A0];
	v42 =	vmul.f32 v6, v5;
	v0 =	vadd.f32 v40, v0  }
0x173: {  	v26 =	vld [tilespmem:$0x18D20]  }
0x174: {  	v4 =	vld.idx.msk [tilespmem:v61+s12+$0x0], $0xffff;
	v44 =	vmul.f32 v31, v32;
	v0 =	vadd.f32 v42, v0  }
0x175: {  	v61 =	vld [tilespmem:$0x18DA0]  }
0x176: {  	v32 =	vld [tilespmem:$0x2F0];
	v47 =	vmul.f32 v11, v2;
	v0 =	vadd.f32 v44, v0  }
0x177: {  	v16 =	vld.idx.msk [tilespmem:v56+s12+$0x0], $0xffff  }
0x178: {  	v28 =	vld [tilespmem:$0x18D30];
	v49 =	vmul.f32 v18, v29;
	v0 =	vadd.f32 v47, v0  }
0x179: {  	v46 =	vld [tilespmem:$0x18D60]  }
0x17a: {  	v51 =	vmul.f32 v10, v7;
	v56 =	vld [tilespmem:$0x2C0];
	v0 =	vadd.f32 v49, v0  }
0x17b: {  	v20 =	vld [tilespmem:$0x18CE0]  }
0x17c: {  	v35 =	vmul.f32 v26, v21;
	v21 =	vld [tilespmem:$0x18E40];
	v54 =	vmul.f32 v17, v9;
	v0 =	vadd.f32 v51, v0  }
0x17d: {  	v38 =	vld [tilespmem:$0x270]  }
0x17e: {  	v26 =	vld [tilespmem:$0x18E50];
	v57 =	vmul.f32 v13, v3;
	v0 =	vadd.f32 v54, v0  }
0x17f: {  	v43 =	vld [tilespmem:$0x18D50]  }
0x180: {  	v25 =	vld.idx.msk [tilespmem:v41+s12+$0x0], $0xffff;
	v59 =	vmul.f32 v20, v8;
	v0 =	vadd.f32 v57, v0  }
0x181: {  	v11 =	vld.idx.msk [tilespmem:v48+s12+$0x0], $0xffff  }
0x182: {  	v41 =	vld [tilespmem:$0x18DE0];
	v62 =	vmul.f32 v15, v14;
	v0 =	vadd.f32 v59, v0  }
0x183: {  	v6 =	vld.idx.msk [tilespmem:v63+s12+$0x0], $0xffff  }
0x184: {  	v22 =	vmul.f32 v22, v12;
	v63 =	vld [tilespmem:$0x2E0];
	v0 =	vadd.f32 v62, v0  }
0x185: {  	v2 =	vld.idx.msk [tilespmem:v38+s12+$0x0], $0xffff  }
0x186: {  	v30 =	vmul.f32 v24, v19;
	v29 =	vld.idx.msk [tilespmem:v56+s12+$0x0], $0xffff;
	v0 =	vadd.f32 v22, v0  }
0x187: {  	v50 =	vld [tilespmem:$0x18D70]  }
0x188: {  	v24 =	vld [tilespmem:$0x380];
	v0 =	vadd.f32 v30, v0  }
0x189: {  	v38 =	vld [tilespmem:$0x18DD0]  }
0x18a: {  	v52 =	vld [tilespmem:$0x2B0];
	v37 =	vmul.f32 v28, v16;
	v0 =	vadd.f32 v35, v0  }
0x18b: {  	v56 =	vmul.f32 v61, v11;
	v61 =	vmul.f32 v34, v29;
	v29 =	vld [tilespmem:$0x390]  }
0x18c: {  	v39 =	vmul.f32 v39, v23;
	v48 =	vmul.f32 v50, v2;
	v50 =	vld [tilespmem:$0x18E00];
	v0 =	vadd.f32 v37, v0  }
0x18d: {  	v60 =	vld [tilespmem:$0x2D0]  }
0x18e: {  	v55 =	vld.idx.msk [tilespmem:v45+s12+$0x0], $0xffff;
	v42 =	vmul.f32 v43, v4;
	v0 =	vadd.f32 v39, v0  }
0x18f: {  	v14 =	vld.idx.msk [tilespmem:v63+s12+$0x0], $0xffff  }
0x190: {  	v45 =	vmul.f32 v46, v6;
	v46 =	vld [tilespmem:$0x18DF0];
	v0 =	vadd.f32 v42, v0  }
0x191: {  	v20 =	vld [tilespmem:$0x370]  }
0x192: {  	v7 =	vld.idx.msk [tilespmem:v52+s12+$0x0], $0xffff;
	v0 =	vadd.f32 v45, v0  }
0x193: {  	v36 =	vld [tilespmem:$0x300]  }
0x194: {  	v23 =	vmul.f32 v41, v14;
	v41 =	vld [tilespmem:$0x18E90];
	v51 =	vmul.f32 v53, v25;
	v0 =	vadd.f32 v48, v0  }
0x195: {  	v8 =	vld.idx.msk [tilespmem:v60+s12+$0x0], $0xffff  }
0x196: {  	v40 =	vld [tilespmem:$0x310];
	v54 =	vmul.f32 v58, v55;
	v0 =	vadd.f32 v51, v0  }
0x197: {  	v60 =	vld [tilespmem:$0x360]  }
0x198: {  	v43 =	vld.idx.msk [tilespmem:v32+s12+$0x0], $0xffff;
	v0 =	vadd.f32 v54, v0  }
0x199: {  	v32 =	vld.idx.msk [tilespmem:v20+s12+$0x0], $0xffff  }
0x19a: {  	v44 =	vld [tilespmem:$0x320];
	v59 =	vmul.f32 v27, v7;
	v0 =	vadd.f32 v56, v0  }
0x19b: {  	v19 =	vmul.f32 v38, v8;
	v38 =	vld [tilespmem:$0x18E80]  }
0x19c: {  	v49 =	vld [tilespmem:$0x330];
	v0 =	vadd.f32 v59, v0  }
0x19d: {  	v47 =	vld.idx.msk [tilespmem:v36+s12+$0x0], $0xffff  }
0x19e: {  	v52 =	vld.idx.msk [tilespmem:v40+s12+$0x0], $0xffff;
	v0 =	vadd.f32 v61, v0  }
0x19f: {  	v53 =	vld [tilespmem:$0x340]  }
0x1a0: {  	v55 =	vld [tilespmem:$0x18E10];
	v0 =	vadd.f32 v19, v0  }
0x1a1: {  	v57 =	vld [tilespmem:$0x350]  }
0x1a2: {  	v25 =	vmul.f32 v46, v43;
	v5 =	vld.idx.msk [tilespmem:v44+s12+$0x0], $0xffff;
	v0 =	vadd.f32 v23, v0  }
0x1a3: {  	v58 =	vld [tilespmem:$0x18E20]  }
0x1a4: {  	v28 =	vmul.f32 v50, v47;
	v2 =	vld.idx.msk [tilespmem:v49+s12+$0x0], $0xffff;
	v0 =	vadd.f32 v25, v0  }
0x1a5: {  	v62 =	vld [tilespmem:$0x18E30]  }
0x1a6: {  	v8 =	vld.idx.msk [tilespmem:v33+s12+$0x0], $0xffff;
	v31 =	vmul.f32 v55, v52;
	v0 =	vadd.f32 v28, v0  }
0x1a7: {  	v63 =	vld.idx.msk [tilespmem:v53+s12+$0x0], $0xffff  }
0x1a8: {  	v36 =	vld.idx.msk [tilespmem:v24+s12+$0x0], $0xffff;
	v34 =	vmul.f32 v58, v5;
	v0 =	vadd.f32 v31, v0  }
0x1a9: {  	v9 =	vld.idx.msk [tilespmem:v57+s12+$0x0], $0xffff  }
0x1aa: {  	v27 =	vld.idx.msk [tilespmem:v60+s12+$0x0], $0xffff;
	v37 =	vmul.f32 v62, v2;
	v0 =	vadd.f32 v34, v0  }
0x1ab: {  	v30 =	vld [tilespmem:$0x18E60]  }
0x1ac: {  	v40 =	vmul.f32 v21, v63;
	v39 =	vld [tilespmem:$0x3B0];
	v0 =	vadd.f32 v37, v0  }
0x1ad: {  	v35 =	vld [tilespmem:$0x18E70]  }
0x1ae: {  	v43 =	vld [tilespmem:$0x3C0];
	v42 =	vmul.f32 v26, v9;
	v0 =	vadd.f32 v40, v0  }
0x1af: {  	v46 =	vld [tilespmem:$0x18EA0]  }
0x1b0: {  	v44 =	vmul.f32 v30, v27;
	v45 =	vld [tilespmem:$0x3D0];
	v0 =	vadd.f32 v42, v0  }
0x1b1: {  	v7 =	vld.idx.msk [tilespmem:v29+s12+$0x0], $0xffff  }
0x1b2: {  	v52 =	vld [tilespmem:$0x18EB0];
	v47 =	vmul.f32 v35, v32;
	v0 =	vadd.f32 v44, v0  }
0x1b3: {  	v48 =	vld [tilespmem:$0x3E0]  }
0x1b4: {  	v50 =	vmul.f32 v38, v36;
	v49 =	vld.idx.msk [tilespmem:v39+s12+$0x0], $0xffff;
	v0 =	vadd.f32 v47, v0  }
0x1b5: {  	v51 =	vld [tilespmem:$0x3F0]  }
0x1b6: {  	v4 =	vld.idx.msk [tilespmem:v43+s12+$0x0], $0xffff;
	v53 =	vmul.f32 v41, v7;
	v0 =	vadd.f32 v50, v0  }
0x1b7: {  	v54 =	vld [tilespmem:$0x18EC0]  }
0x1b8: {  	v55 =	vmul.f32 v46, v8;
	v6 =	vld.idx.msk [tilespmem:v45+s12+$0x0], $0xffff;
	v0 =	vadd.f32 v53, v0  }
0x1b9: {  	v56 =	vld [tilespmem:$0x18ED0]  }
0x1ba: {  	v58 =	vld [tilespmem:$0x18EE0];
	v57 =	vmul.f32 v52, v49;
	v0 =	vadd.f32 v55, v0  }
0x1bb: {  	v3 =	vld.idx.msk [tilespmem:v48+s12+$0x0], $0xffff  }
0x1bc: {  	v60 =	vld [tilespmem:$0x18EF0];
	v59 =	vmul.f32 v54, v4;
	v0 =	vadd.f32 v57, v0  }
0x1bd: {  	v2 =	vld.idx.msk [tilespmem:v51+s12+$0x0], $0xffff  }
0x1be: {  	v61 =	vmul.f32 v56, v6;
	v0 =	vadd.f32 v59, v0;
	_ =	sdelay $0x1  }
0x1bf: {  	v62 =	vmul.f32 v58, v3;
	v0 =	vadd.f32 v61, v0;
	_ =	sdelay $0x1  }
0x1c0: {  	v63 =	vmul.f32 v60, v2;
	v0 =	vadd.f32 v62, v0;
	_ =	sdelay $0x1  }
0x1c1: {  	v0 =	vadd.f32 v63, v0  }
0x1c2: {  	p0 =	sne.s32 s9, $0x1  }
.Ltmp0:
0x1c3: {  	[tilespmem:$0x18F00] =	vst v0;
	(pc) =	sbr.rel @p0 .LBB2_1-.Ltmp0, $4  }
0x1c4: {  	[hbm4b:s8+s3] =	stream.linear.scatter [tilespmem:s15], [sflag:$0x2], $0x80, $0x38;
	[tilespmem:$0x18F80] =	vst v63  }
0x1c5: {  	_ =	swait.ge [sflag:s10], $0x80  }
0x1c6: {  	[sflag:s10] =	ssyncset.done $0x0  }
0x1c7: {  	s9 =	sadd.s32 $0xFFFFFFFF, s9;
	[sflag:s10] =	ssyncadd.s32 $0xFFFFFF80  }
0x1c8: {  	_ =	sfence.sel $0x180000  }
0x1c9: {  	[bflag:$0x0] =	sbarrier.arrive $0xFFFF  }
0x1ca: {  	p0 =	sne.s32 s2, $0x0;
	_ =	strace $0x90000047  }
0x1cb: {  	s0 =	sadd.s32 @!p0 $0x100000, s0;
	[bflag:$0x2] =	sbarrier.arrive $0xFFFF  }
0x1cc: {  	[sflag:s0] =	ssyncadd.tile.s32 @!p0 $0x1;
	_ =	shalt  }
.Lfunc_end2:
_tile_overlayer_lowered:
.L_overlay_start_2:
0x1cd: {  	(tag) =	ssettag $0x2  }
0x1ce: {  	s0 =	rddreg [dreg:$0x0];
	s2 =	stileid.u32  }
0x1cf: {  	s1 =	rddreg [dreg:$0x1];
	p0 =	sne.s32 s2, $0x0  }
0x1d0: {  	s3 =	rddreg [dreg:$0x2];
	[bflag:$0x3] =	sbarrier.arrive $0xFFFF;
	s2 =	simm.s32 @!p0 $0x1C02  }
0x1d1: {  	[timem:s3], [sflag:s2] =	dma.local @!p0 [hbm:s0], s1  }
0x1d2: {  	s0 =	simm.s32 @!p0 $0x2  }
0x1d3: {  	_ =	swait.ge @!p0 [sflag:s0], s1  }
0x1d4: {  	s1 =	ssub.s32 @!p0 $0x0, s1;
	[sflag:s0] =	ssyncset.done @!p0 $0x0  }
0x1d5: {  	[sflag:s0] =	ssyncadd.s32 @!p0 s1  }
0x1d6: {  	[bflag:$0x3] =	sbarrier.arrive $0xFFFF  }
0x1d7: {  	_ =	shalt  }

</sc_bundles>
